<compile_context>
chip_gen: v7x
topology: tpu7x:2x2x1
jax: 0.10.2.dev20260603
libtpu: 0.0.44.dev20260713+nightly
codegen_flags: <defaults>
</compile_context>

<pallas_src>
import functools

import jax
import jax.numpy as jnp
from jax import lax
from jax.experimental import pallas as pl
from jax.experimental.pallas import tpu as pltpu
from jax.experimental.pallas import tpu_sc as plsc

NC = 2
NS = 16
NW = NC * NS
L = 16
ICHUNK = 128


def _make_tc_project(F, D, V, VP, f0, FH):
    def body(t_ref, w_ref, o_ref):
        f = pl.program_id(0) + f0
        t = t_ref[0]
        ids = lax.broadcasted_iota(jnp.int32, (D, 1), 0)
        wcol = jnp.full((D, 1), w_ref[0, f], jnp.float32)
        for d in range(1, D):
            wcol = jnp.where(ids == d, w_ref[d, f], wcol)
        score = jnp.sum(t * wcol, axis=0)
        o_ref[pl.ds(0, V)] = score

    return pl.pallas_call(
        body,
        grid=(FH,),
        in_specs=[
            pl.BlockSpec((1, D, V), lambda f: (f + f0, 0, 0)),
            pl.BlockSpec(memory_space=pltpu.SMEM),
        ],
        out_specs=pl.BlockSpec((VP,), lambda f: (f,)),
        out_shape=jax.ShapeDtypeStruct((FH * VP,), jnp.float32),
    )


def _make_sc_gather(B, F, f0, FH, qpw, last):
    bpw = B // NW
    npos = bpw * FH

    mesh = plsc.VectorSubcoreMesh(core_axis_name="c", subcore_axis_name="s")

    scratch = [
        pltpu.VMEM((FH, qpw, ICHUNK), jnp.int32),
        pltpu.VMEM((npos,), jnp.float32),
        pltpu.VMEM((bpw,), jnp.float32),
        pltpu.SemaphoreType.DMA,
    ]
    if last:
        scratch.append(pltpu.VMEM((bpw,), jnp.float32))

    @functools.partial(
        pl.kernel,
        out_type=jax.ShapeDtypeStruct((B,), jnp.float32),
        mesh=mesh,
        compiler_params=pltpu.CompilerParams(
            needs_layout_passes=False, use_tc_tiling_on_sc=False),
        scratch_types=scratch,
    )
    def kern(scores_hbm, idx_hbm, *rest):
        if last:
            part_hbm, out_hbm, idx_v, dst_v, out_w, sem, part_v = rest
        else:
            out_hbm, idx_v, dst_v, out_w, sem = rest
        wid = lax.axis_index("s") * NC + lax.axis_index("c")
        pltpu.sync_copy(idx_hbm.at[pl.ds(f0, FH), wid], idx_v)
        if last:
            pltpu.sync_copy(part_hbm.at[pl.ds(wid * bpw, bpw)], part_v)

        @pl.loop(0, FH)
        def _(f):
            for q in range(qpw):
                pltpu.async_copy(
                    scores_hbm.at[idx_v.at[f, q]],
                    dst_v.at[pl.ds((f * qpw + q) * ICHUNK, ICHUNK)],
                    sem,
                )

        pltpu.make_async_copy(
            scores_hbm.at[pl.ds(0, npos)], dst_v, sem
        ).wait()

        @pl.loop(0, bpw // L)
        def _(g):
            tot = dst_v[pl.ds(g * L, L)]
            for f in range(1, FH):
                tot = tot + dst_v[pl.ds(f * bpw + g * L, L)]
            if last:
                tot = tot + part_v[pl.ds(g * L, L)]
                tot = 1.0 / (1.0 + jnp.exp(-tot))
            out_w[pl.ds(g * L, L)] = tot

        pltpu.sync_copy(out_w, out_hbm.at[pl.ds(wid * bpw, bpw)])

    return kern


def kernel(indices, tables, W):
    B, F = indices.shape
    _, V, D = tables.shape
    bpw = B // NW
    qpw = bpw // ICHUNK
    VP = (V + 1023) // 1024 * 1024
    FH = F // 2

    w2t = W.reshape(F, D).astype(jnp.float32).T
    tables_t = tables.transpose(0, 2, 1)
    scores0 = _make_tc_project(F, D, V, VP, 0, FH)(tables_t, w2t)
    scores1 = _make_tc_project(F, D, V, VP, FH, F - FH)(tables_t, w2t)

    off = (jnp.arange(F, dtype=jnp.int32) % FH) * VP
    flat_t = indices.astype(jnp.int32).T + off[:, None]
    idx4 = flat_t.reshape(F, NW, qpw, ICHUNK)

    part = _make_sc_gather(B, F, 0, FH, qpw, False)(scores0, idx4)
    out = _make_sc_gather(B, F, FH, F - FH, qpw, True)(scores1, idx4, part)
    return out.reshape(B, 1)

# --- scband reference (transcript-rebuilt; emitter-appended) ---
"""Pipeline reference for scband-base-model-43301860278857 (READ-ONLY COPY).

The authoritative reference and input builder live on the scoring server;
editing this copy changes nothing except your own understanding.
"""

import jax, jax.numpy as jnp
import numpy as np

B, F, V, D = 16384, 26, 100000, 16

def setup_inputs(seed: int = 0) -> dict:
    key = jax.random.key(seed)
    k1, k2, k3 = jax.random.split(key, 3)
    indices = jax.random.randint(k1, (B, F), 0, V)
    # embedding_dict: one table per sparse field, init with std=1e-4 (init_std)
    tables = jax.random.normal(k2, (F, V, D), dtype=jnp.float32) * 1e-4
    # linear_model: nn.Linear(F*D, 1, bias=False)
    W = jax.random.normal(k3, (F * D, 1), dtype=jnp.float32) * 0.01
    return {"indices": indices, "tables": tables, "W": W}

def reference(indices, tables, W):
    # per-field embedding lookup: tables[f][indices[:, f]] -> [B, F, D]
    field_ids = jnp.arange(F)[None, :]              # [1, F]
    emb = tables[field_ids, indices]                # gather -> [B, F, D]
    flat = emb.reshape(indices.shape[0], F * D)     # concat sparse embeddings
    logit = flat @ W                                # linear_model, no bias
    out = jax.nn.sigmoid(logit)                     # PredictionLayer(task='binary')
    return out

if __name__ == "__main__":
    import jax
    _d = setup_inputs()
    print(jax.jit(kernel)(*tuple(_d.values())))

</pallas_src>

<mosaic_0001>
#map = affine_map<(d0, d1) -> (0)>
#map1 = affine_map<(d0, d1) -> (0, 0, 0, 0)>
module attributes {stable_mosaic.version = 14 : i64} {
  func.func @kern(%arg0: i32, %arg1: i32, %arg2: memref<1304576xf32, #tpu.memory_space<hbm>>, %arg3: memref<26x32x4x128xi32, #tpu.memory_space<hbm>>, %arg4: memref<16384xf32, #tpu.memory_space<hbm>>, %arg5: memref<16384xf32, #tpu.memory_space<hbm>>, %arg6: memref<13x4x128xi32, #tpu.memory_space<vmem>>, %arg7: memref<6656xf32, #tpu.memory_space<vmem>>, %arg8: memref<512xf32, #tpu.memory_space<vmem>>, %arg9: memref<!tpu.dma_semaphore, #tpu.memory_space<semaphore_mem>>, %arg10: memref<512xf32, #tpu.memory_space<vmem>>) attributes {dimension_semantics = [#tpu.dimension_semantics<core_parallel>, #tpu.dimension_semantics<subcore_parallel>], iteration_bounds = array<i64: 2, 16>, scalar_prefetch = 0 : i64, scratch_operands = 5 : i64, tpu.core_type = #tpu.core_type<sc_vector_subcore>, window_params = [{transform_indices = #map}, {transform_indices = #map1}, {transform_indices = #map}, {transform_indices = #map}]} {
    %mul3A = arith.constant 2 : i32
    %mul3A_0 = arith.muli %arg1, %mul3A : i32
    %add3A = arith.addi %mul3A_0, %arg0 : i32
    "tpu.region"() ({
      %run_scoped3A = tpu.sem_alloc : memref<!tpu.dma_semaphore, #tpu.memory_space<semaphore_mem>>
      %dma_start3A = arith.constant 13 : i32
      %dma_start3A_17 = arith.constant 0 : i32
      %dma_start3A_18 = arith.constant 0 : i32
      %dma_start3A_19 = tpu.memref_slice %arg3[%dma_start3A, %add3A, %dma_start3A_17, %dma_start3A_18] : memref<26x32x4x128xi32, #tpu.memory_space<hbm>> -> memref<13x1x4x128xi32, #tpu.memory_space<hbm>>
      %dma_start3A_20 = tpu.memref_squeeze %dma_start3A_19 : memref<13x1x4x128xi32, #tpu.memory_space<hbm>> -> memref<13x4x128xi32, #tpu.memory_space<hbm>>
      %dma_start3A_21 = arith.constant 13 : i32
      %dma_start3A_22 = arith.constant 0 : i32
      %dma_start3A_23 = arith.constant 0 : i32
      %dma_start3A_24 = tpu.memref_slice %arg3[%dma_start3A_21, %add3A, %dma_start3A_22, %dma_start3A_23] : memref<26x32x4x128xi32, #tpu.memory_space<hbm>> -> memref<13x1x4x128xi32, #tpu.memory_space<hbm>>
      %dma_start3A_25 = tpu.memref_squeeze %dma_start3A_24 : memref<13x1x4x128xi32, #tpu.memory_space<hbm>> -> memref<13x4x128xi32, #tpu.memory_space<hbm>>
      tpu.enqueue_dma source(%dma_start3A_25 : memref<13x4x128xi32, #tpu.memory_space<hbm>>) target(%arg6 : memref<13x4x128xi32, #tpu.memory_space<vmem>>) target_semaphore(%run_scoped3A : memref<!tpu.dma_semaphore, #tpu.memory_space<semaphore_mem>>)
      %dma_wait3A_26 = arith.constant 13 : i32
      %dma_wait3A_27 = arith.constant 0 : i32
      %dma_wait3A_28 = arith.constant 0 : i32
      %dma_wait3A_29 = tpu.memref_slice %arg3[%dma_wait3A_26, %add3A, %dma_wait3A_27, %dma_wait3A_28] : memref<26x32x4x128xi32, #tpu.memory_space<hbm>> -> memref<13x1x4x128xi32, #tpu.memory_space<hbm>>
      %dma_wait3A_30 = tpu.memref_squeeze %dma_wait3A_29 : memref<13x1x4x128xi32, #tpu.memory_space<hbm>> -> memref<13x4x128xi32, #tpu.memory_space<hbm>>
      %dma_wait3A_31 = arith.constant 13 : i32
      %dma_wait3A_32 = arith.constant 0 : i32
      %dma_wait3A_33 = arith.constant 0 : i32
      %dma_wait3A_34 = tpu.memref_slice %arg3[%dma_wait3A_31, %add3A, %dma_wait3A_32, %dma_wait3A_33] : memref<26x32x4x128xi32, #tpu.memory_space<hbm>> -> memref<13x1x4x128xi32, #tpu.memory_space<hbm>>
      %dma_wait3A_35 = tpu.memref_squeeze %dma_wait3A_34 : memref<13x1x4x128xi32, #tpu.memory_space<hbm>> -> memref<13x4x128xi32, #tpu.memory_space<hbm>>
      tpu.wait_dma2 semaphore(%run_scoped3A : memref<!tpu.dma_semaphore, #tpu.memory_space<semaphore_mem>>) src(%dma_wait3A_35 : memref<13x4x128xi32, #tpu.memory_space<hbm>>) dst(%arg6 : memref<13x4x128xi32, #tpu.memory_space<vmem>>)
      tpu.yield
    }) : () -> ()
    %mul3A_1 = arith.constant 512 : i32
    %mul3A_2 = arith.muli %add3A, %mul3A_1 : i32
    "tpu.region"() ({
      %run_scoped3A = tpu.sem_alloc : memref<!tpu.dma_semaphore, #tpu.memory_space<semaphore_mem>>
      %dma_start3A = tpu.memref_slice %arg4[%mul3A_2] : memref<16384xf32, #tpu.memory_space<hbm>> -> memref<512xf32, #tpu.memory_space<hbm>>
      %dma_start3A_17 = tpu.memref_slice %arg4[%mul3A_2] : memref<16384xf32, #tpu.memory_space<hbm>> -> memref<512xf32, #tpu.memory_space<hbm>>
      tpu.enqueue_dma source(%dma_start3A_17 : memref<512xf32, #tpu.memory_space<hbm>>) target(%arg10 : memref<512xf32, #tpu.memory_space<vmem>>) target_semaphore(%run_scoped3A : memref<!tpu.dma_semaphore, #tpu.memory_space<semaphore_mem>>)
      %dma_wait3A_18 = tpu.memref_slice %arg4[%mul3A_2] : memref<16384xf32, #tpu.memory_space<hbm>> -> memref<512xf32, #tpu.memory_space<hbm>>
      %dma_wait3A_19 = tpu.memref_slice %arg4[%mul3A_2] : memref<16384xf32, #tpu.memory_space<hbm>> -> memref<512xf32, #tpu.memory_space<hbm>>
      tpu.wait_dma2 semaphore(%run_scoped3A : memref<!tpu.dma_semaphore, #tpu.memory_space<semaphore_mem>>) src(%dma_wait3A_19 : memref<512xf32, #tpu.memory_space<hbm>>) dst(%arg10 : memref<512xf32, #tpu.memory_space<vmem>>)
      tpu.yield
    }) : () -> ()
    %scan3A = arith.constant 0 : i32
    %scan3A_3 = arith.constant 13 : i32
    %scan3A_4 = arith.addi %scan3A, %scan3A_3 : i32
    %scan3A_5 = arith.constant 1 : i32
    scf.for %scan3A_17 = %scan3A to %scan3A_4 step %scan3A_5  : i32 {
      %mul3A_18 = arith.constant 1 : i32
      %mul3A_19 = arith.muli %scan3A_17, %mul3A_18 : i32
      %add3A_20 = arith.constant 0 : i32
      %add3A_21 = arith.addi %add3A_20, %mul3A_19 : i32
      %mul3A_22 = arith.constant 4 : i32
      %mul3A_23 = arith.muli %add3A_21, %mul3A_22 : i32
      %add3A_24 = arith.constant 0 : i32
      %add3A_25 = arith.addi %mul3A_23, %add3A_24 : i32
      %mul3A_26 = arith.constant 128 : i32
      %mul3A_27 = arith.muli %add3A_25, %mul3A_26 : i32
      %dma_start3A = arith.constant 0 : i32
      %dma_start3A_28 = tpu.memref_slice %arg7[%mul3A_27] : memref<6656xf32, #tpu.memory_space<vmem>> -> memref<128xf32, #tpu.memory_space<vmem>>
      %dma_start3A_29 = arith.constant 0 : i32
      %dma_start3A_30 = tpu.memref_slice %arg6[%add3A_21, %dma_start3A, %dma_start3A_29] : memref<13x4x128xi32, #tpu.memory_space<vmem>> -> memref<1x1x128xi32, #tpu.memory_space<vmem>>
      %dma_start3A_31 = tpu.memref_squeeze %dma_start3A_30 : memref<1x1x128xi32, #tpu.memory_space<vmem>> -> memref<128xi32, #tpu.memory_space<vmem>>
      %dma_start3A_32 = arith.constant 0 : i32
      %dma_start3A_33 = tpu.memref_slice %arg2[%dma_start3A_32] : memref<1304576xf32, #tpu.memory_space<hbm>> -> memref<1304576xf32, #tpu.memory_space<hbm>>
      tpu.enqueue_indirect_dma source(%dma_start3A_33 : memref<1304576xf32, #tpu.memory_space<hbm>>) target(%dma_start3A_28 : memref<128xf32, #tpu.memory_space<vmem>>) offsets(%dma_start3A_31 : memref<128xi32, #tpu.memory_space<vmem>>) semaphore(%arg9 : memref<!tpu.dma_semaphore, #tpu.memory_space<semaphore_mem>>)
      %mul3A_34 = arith.constant 4 : i32
      %mul3A_35 = arith.muli %add3A_21, %mul3A_34 : i32
      %add3A_36 = arith.constant 1 : i32
      %add3A_37 = arith.addi %mul3A_35, %add3A_36 : i32
      %mul3A_38 = arith.constant 128 : i32
      %mul3A_39 = arith.muli %add3A_37, %mul3A_38 : i32
      %dma_start3A_40 = arith.constant 1 : i32
      %dma_start3A_41 = tpu.memref_slice %arg7[%mul3A_39] : memref<6656xf32, #tpu.memory_space<vmem>> -> memref<128xf32, #tpu.memory_space<vmem>>
      %dma_start3A_42 = arith.constant 0 : i32
      %dma_start3A_43 = tpu.memref_slice %arg6[%add3A_21, %dma_start3A_40, %dma_start3A_42] : memref<13x4x128xi32, #tpu.memory_space<vmem>> -> memref<1x1x128xi32, #tpu.memory_space<vmem>>
      %dma_start3A_44 = tpu.memref_squeeze %dma_start3A_43 : memref<1x1x128xi32, #tpu.memory_space<vmem>> -> memref<128xi32, #tpu.memory_space<vmem>>
      %dma_start3A_45 = arith.constant 0 : i32
      %dma_start3A_46 = tpu.memref_slice %arg2[%dma_start3A_45] : memref<1304576xf32, #tpu.memory_space<hbm>> -> memref<1304576xf32, #tpu.memory_space<hbm>>
      tpu.enqueue_indirect_dma source(%dma_start3A_46 : memref<1304576xf32, #tpu.memory_space<hbm>>) target(%dma_start3A_41 : memref<128xf32, #tpu.memory_space<vmem>>) offsets(%dma_start3A_44 : memref<128xi32, #tpu.memory_space<vmem>>) semaphore(%arg9 : memref<!tpu.dma_semaphore, #tpu.memory_space<semaphore_mem>>)
      %mul3A_47 = arith.constant 4 : i32
      %mul3A_48 = arith.muli %add3A_21, %mul3A_47 : i32
      %add3A_49 = arith.constant 2 : i32
      %add3A_50 = arith.addi %mul3A_48, %add3A_49 : i32
      %mul3A_51 = arith.constant 128 : i32
      %mul3A_52 = arith.muli %add3A_50, %mul3A_51 : i32
      %dma_start3A_53 = arith.constant 2 : i32
      %dma_start3A_54 = tpu.memref_slice %arg7[%mul3A_52] : memref<6656xf32, #tpu.memory_space<vmem>> -> memref<128xf32, #tpu.memory_space<vmem>>
      %dma_start3A_55 = arith.constant 0 : i32
      %dma_start3A_56 = tpu.memref_slice %arg6[%add3A_21, %dma_start3A_53, %dma_start3A_55] : memref<13x4x128xi32, #tpu.memory_space<vmem>> -> memref<1x1x128xi32, #tpu.memory_space<vmem>>
      %dma_start3A_57 = tpu.memref_squeeze %dma_start3A_56 : memref<1x1x128xi32, #tpu.memory_space<vmem>> -> memref<128xi32, #tpu.memory_space<vmem>>
      %dma_start3A_58 = arith.constant 0 : i32
      %dma_start3A_59 = tpu.memref_slice %arg2[%dma_start3A_58] : memref<1304576xf32, #tpu.memory_space<hbm>> -> memref<1304576xf32, #tpu.memory_space<hbm>>
      tpu.enqueue_indirect_dma source(%dma_start3A_59 : memref<1304576xf32, #tpu.memory_space<hbm>>) target(%dma_start3A_54 : memref<128xf32, #tpu.memory_space<vmem>>) offsets(%dma_start3A_57 : memref<128xi32, #tpu.memory_space<vmem>>) semaphore(%arg9 : memref<!tpu.dma_semaphore, #tpu.memory_space<semaphore_mem>>)
      %mul3A_60 = arith.constant 4 : i32
      %mul3A_61 = arith.muli %add3A_21, %mul3A_60 : i32
      %add3A_62 = arith.constant 3 : i32
      %add3A_63 = arith.addi %mul3A_61, %add3A_62 : i32
      %mul3A_64 = arith.constant 128 : i32
      %mul3A_65 = arith.muli %add3A_63, %mul3A_64 : i32
      %dma_start3A_66 = arith.constant 3 : i32
      %dma_start3A_67 = tpu.memref_slice %arg7[%mul3A_65] : memref<6656xf32, #tpu.memory_space<vmem>> -> memref<128xf32, #tpu.memory_space<vmem>>
      %dma_start3A_68 = arith.constant 0 : i32
      %dma_start3A_69 = tpu.memref_slice %arg6[%add3A_21, %dma_start3A_66, %dma_start3A_68] : memref<13x4x128xi32, #tpu.memory_space<vmem>> -> memref<1x1x128xi32, #tpu.memory_space<vmem>>
      %dma_start3A_70 = tpu.memref_squeeze %dma_start3A_69 : memref<1x1x128xi32, #tpu.memory_space<vmem>> -> memref<128xi32, #tpu.memory_space<vmem>>
      %dma_start3A_71 = arith.constant 0 : i32
      %dma_start3A_72 = tpu.memref_slice %arg2[%dma_start3A_71] : memref<1304576xf32, #tpu.memory_space<hbm>> -> memref<1304576xf32, #tpu.memory_space<hbm>>
      tpu.enqueue_indirect_dma source(%dma_start3A_72 : memref<1304576xf32, #tpu.memory_space<hbm>>) target(%dma_start3A_67 : memref<128xf32, #tpu.memory_space<vmem>>) offsets(%dma_start3A_70 : memref<128xi32, #tpu.memory_space<vmem>>) semaphore(%arg9 : memref<!tpu.dma_semaphore, #tpu.memory_space<semaphore_mem>>)
    }
    %scan3A_6 = arith.constant 13 : i32
    %dma_wait3A = arith.constant 0 : i32
    %dma_wait3A_7 = tpu.memref_slice %arg2[%dma_wait3A] : memref<1304576xf32, #tpu.memory_space<hbm>> -> memref<6656xf32, #tpu.memory_space<hbm>>
    %dma_wait3A_8 = arith.constant 0 : i32
    %dma_wait3A_9 = tpu.memref_slice %arg2[%dma_wait3A_8] : memref<1304576xf32, #tpu.memory_space<hbm>> -> memref<6656xf32, #tpu.memory_space<hbm>>
    tpu.wait_dma2 semaphore(%arg9 : memref<!tpu.dma_semaphore, #tpu.memory_space<semaphore_mem>>) src(%dma_wait3A_9 : memref<6656xf32, #tpu.memory_space<hbm>>) dst(%arg7 : memref<6656xf32, #tpu.memory_space<vmem>>)
    %scan3A_10 = arith.constant 0 : i32
    %scan3A_11 = arith.constant 32 : i32
    %scan3A_12 = arith.addi %scan3A_10, %scan3A_11 : i32
    %scan3A_13 = arith.constant 1 : i32
    scf.for %scan3A_17 = %scan3A_10 to %scan3A_12 step %scan3A_13  : i32 {
      %mul3A_18 = arith.constant 1 : i32
      %mul3A_19 = arith.muli %scan3A_17, %mul3A_18 : i32
      %add3A_20 = arith.constant 0 : i32
      %add3A_21 = arith.addi %add3A_20, %mul3A_19 : i32
      %mul3A_22 = arith.constant 16 : i32
      %mul3A_23 = arith.muli %add3A_21, %mul3A_22 : i32
      %get3A = arith.index_cast %mul3A_23 : i32 to index
      %get3A_24 = tpu.vector_load %arg7[%get3A] {strides = array<i32>} : memref<6656xf32, #tpu.memory_space<vmem>>, vector<16xf32>,
      %mul3A_25 = arith.constant 16 : i32
      %mul3A_26 = arith.muli %add3A_21, %mul3A_25 : i32
      %add3A_27 = arith.constant 512 : i32
      %add3A_28 = arith.addi %add3A_27, %mul3A_26 : i32
      %get3A_29 = arith.index_cast %add3A_28 : i32 to index
      %get3A_30 = tpu.vector_load %arg7[%get3A_29] {strides = array<i32>} : memref<6656xf32, #tpu.memory_space<vmem>>, vector<16xf32>,
      %add3A_31 = arith.addf %get3A_24, %get3A_30 : vector<16xf32>
      %mul3A_32 = arith.constant 16 : i32
      %mul3A_33 = arith.muli %add3A_21, %mul3A_32 : i32
      %add3A_34 = arith.constant 1024 : i32
      %add3A_35 = arith.addi %add3A_34, %mul3A_33 : i32
      %get3A_36 = arith.index_cast %add3A_35 : i32 to index
      %get3A_37 = tpu.vector_load %arg7[%get3A_36] {strides = array<i32>} : memref<6656xf32, #tpu.memory_space<vmem>>, vector<16xf32>,
      %add3A_38 = arith.addf %add3A_31, %get3A_37 : vector<16xf32>
      %mul3A_39 = arith.constant 16 : i32
      %mul3A_40 = arith.muli %add3A_21, %mul3A_39 : i32
      %add3A_41 = arith.constant 1536 : i32
      %add3A_42 = arith.addi %add3A_41, %mul3A_40 : i32
      %get3A_43 = arith.index_cast %add3A_42 : i32 to index
      %get3A_44 = tpu.vector_load %arg7[%get3A_43] {strides = array<i32>} : memref<6656xf32, #tpu.memory_space<vmem>>, vector<16xf32>,
      %add3A_45 = arith.addf %add3A_38, %get3A_44 : vector<16xf32>
      %mul3A_46 = arith.constant 16 : i32
      %mul3A_47 = arith.muli %add3A_21, %mul3A_46 : i32
      %add3A_48 = arith.constant 2048 : i32
      %add3A_49 = arith.addi %add3A_48, %mul3A_47 : i32
      %get3A_50 = arith.index_cast %add3A_49 : i32 to index
      %get3A_51 = tpu.vector_load %arg7[%get3A_50] {strides = array<i32>} : memref<6656xf32, #tpu.memory_space<vmem>>, vector<16xf32>,
      %add3A_52 = arith.addf %add3A_45, %get3A_51 : vector<16xf32>
      %mul3A_53 = arith.constant 16 : i32
      %mul3A_54 = arith.muli %add3A_21, %mul3A_53 : i32
      %add3A_55 = arith.constant 2560 : i32
      %add3A_56 = arith.addi %add3A_55, %mul3A_54 : i32
      %get3A_57 = arith.index_cast %add3A_56 : i32 to index
      %get3A_58 = tpu.vector_load %arg7[%get3A_57] {strides = array<i32>} : memref<6656xf32, #tpu.memory_space<vmem>>, vector<16xf32>,
      %add3A_59 = arith.addf %add3A_52, %get3A_58 : vector<16xf32>
      %mul3A_60 = arith.constant 16 : i32
      %mul3A_61 = arith.muli %add3A_21, %mul3A_60 : i32
      %add3A_62 = arith.constant 3072 : i32
      %add3A_63 = arith.addi %add3A_62, %mul3A_61 : i32
      %get3A_64 = arith.index_cast %add3A_63 : i32 to index
      %get3A_65 = tpu.vector_load %arg7[%get3A_64] {strides = array<i32>} : memref<6656xf32, #tpu.memory_space<vmem>>, vector<16xf32>,
      %add3A_66 = arith.addf %add3A_59, %get3A_65 : vector<16xf32>
      %mul3A_67 = arith.constant 16 : i32
      %mul3A_68 = arith.muli %add3A_21, %mul3A_67 : i32
      %add3A_69 = arith.constant 3584 : i32
      %add3A_70 = arith.addi %add3A_69, %mul3A_68 : i32
      %get3A_71 = arith.index_cast %add3A_70 : i32 to index
      %get3A_72 = tpu.vector_load %arg7[%get3A_71] {strides = array<i32>} : memref<6656xf32, #tpu.memory_space<vmem>>, vector<16xf32>,
      %add3A_73 = arith.addf %add3A_66, %get3A_72 : vector<16xf32>
      %mul3A_74 = arith.constant 16 : i32
      %mul3A_75 = arith.muli %add3A_21, %mul3A_74 : i32
      %add3A_76 = arith.constant 4096 : i32
      %add3A_77 = arith.addi %add3A_76, %mul3A_75 : i32
      %get3A_78 = arith.index_cast %add3A_77 : i32 to index
      %get3A_79 = tpu.vector_load %arg7[%get3A_78] {strides = array<i32>} : memref<6656xf32, #tpu.memory_space<vmem>>, vector<16xf32>,
      %add3A_80 = arith.addf %add3A_73, %get3A_79 : vector<16xf32>
      %mul3A_81 = arith.constant 16 : i32
      %mul3A_82 = arith.muli %add3A_21, %mul3A_81 : i32
      %add3A_83 = arith.constant 4608 : i32
      %add3A_84 = arith.addi %add3A_83, %mul3A_82 : i32
      %get3A_85 = arith.index_cast %add3A_84 : i32 to index
      %get3A_86 = tpu.vector_load %arg7[%get3A_85] {strides = array<i32>} : memref<6656xf32, #tpu.memory_space<vmem>>, vector<16xf32>,
      %add3A_87 = arith.addf %add3A_80, %get3A_86 : vector<16xf32>
      %mul3A_88 = arith.constant 16 : i32
      %mul3A_89 = arith.muli %add3A_21, %mul3A_88 : i32
      %add3A_90 = arith.constant 5120 : i32
      %add3A_91 = arith.addi %add3A_90, %mul3A_89 : i32
      %get3A_92 = arith.index_cast %add3A_91 : i32 to index
      %get3A_93 = tpu.vector_load %arg7[%get3A_92] {strides = array<i32>} : memref<6656xf32, #tpu.memory_space<vmem>>, vector<16xf32>,
      %add3A_94 = arith.addf %add3A_87, %get3A_93 : vector<16xf32>
      %mul3A_95 = arith.constant 16 : i32
      %mul3A_96 = arith.muli %add3A_21, %mul3A_95 : i32
      %add3A_97 = arith.constant 5632 : i32
      %add3A_98 = arith.addi %add3A_97, %mul3A_96 : i32
      %get3A_99 = arith.index_cast %add3A_98 : i32 to index
      %get3A_100 = tpu.vector_load %arg7[%get3A_99] {strides = array<i32>} : memref<6656xf32, #tpu.memory_space<vmem>>, vector<16xf32>,
      %add3A_101 = arith.addf %add3A_94, %get3A_100 : vector<16xf32>
      %mul3A_102 = arith.constant 16 : i32
      %mul3A_103 = arith.muli %add3A_21, %mul3A_102 : i32
      %add3A_104 = arith.constant 6144 : i32
      %add3A_105 = arith.addi %add3A_104, %mul3A_103 : i32
      %get3A_106 = arith.index_cast %add3A_105 : i32 to index
      %get3A_107 = tpu.vector_load %arg7[%get3A_106] {strides = array<i32>} : memref<6656xf32, #tpu.memory_space<vmem>>, vector<16xf32>,
      %add3A_108 = arith.addf %add3A_101, %get3A_107 : vector<16xf32>
      %mul3A_109 = arith.constant 16 : i32
      %mul3A_110 = arith.muli %add3A_21, %mul3A_109 : i32
      %get3A_111 = arith.index_cast %mul3A_110 : i32 to index
      %get3A_112 = tpu.vector_load %arg10[%get3A_111] {strides = array<i32>} : memref<512xf32, #tpu.memory_space<vmem>>, vector<16xf32>,
      %add3A_113 = arith.addf %add3A_108, %get3A_112 : vector<16xf32>
      %neg3A = arith.constant 0.000000e+00 : f32
      %neg3A_114 = vector.broadcast %neg3A : f32 to vector<16xf32>
      %neg3A_115 = arith.subf %neg3A_114, %add3A_113 : vector<16xf32>
      %exp3A = math.exp %neg3A_115 : vector<16xf32>
      %add3A_116 = arith.constant 1.000000e+00 : f32
      %add3A_117 = vector.broadcast %add3A_116 : f32 to vector<16xf32>
      %add3A_118 = arith.addf %add3A_117, %exp3A : vector<16xf32>
      %div3A = arith.constant 1.000000e+00 : f32
      %div3A_119 = vector.broadcast %div3A : f32 to vector<16xf32>
      %div3A_120 = arith.divf %div3A_119, %add3A_118 : vector<16xf32>
      %mul3A_121 = arith.constant 16 : i32
      %mul3A_122 = arith.muli %add3A_21, %mul3A_121 : i32
      %swap3A = arith.index_cast %mul3A_122 : i32 to index
      %swap3A_123 = tpu.vector_load %arg8[%swap3A] {strides = array<i32>} : memref<512xf32, #tpu.memory_space<vmem>>, vector<16xf32>,
      tpu.vector_store %arg8[%swap3A], %div3A_120 {strides = array<i32>} : memref<512xf32, #tpu.memory_space<vmem>>, vector<16xf32>,
    }
    %scan3A_14 = arith.constant 32 : i32
    %mul3A_15 = arith.constant 512 : i32
    %mul3A_16 = arith.muli %add3A, %mul3A_15 : i32
    "tpu.region"() ({
      %run_scoped3A = tpu.sem_alloc : memref<!tpu.dma_semaphore, #tpu.memory_space<semaphore_mem>>
      %dma_start3A = tpu.memref_slice %arg5[%mul3A_16] : memref<16384xf32, #tpu.memory_space<hbm>> -> memref<512xf32, #tpu.memory_space<hbm>>
      %dma_start3A_17 = tpu.memref_slice %arg5[%mul3A_16] : memref<16384xf32, #tpu.memory_space<hbm>> -> memref<512xf32, #tpu.memory_space<hbm>>
      tpu.enqueue_dma source(%arg8 : memref<512xf32, #tpu.memory_space<vmem>>) target(%dma_start3A_17 : memref<512xf32, #tpu.memory_space<hbm>>) target_semaphore(%run_scoped3A : memref<!tpu.dma_semaphore, #tpu.memory_space<semaphore_mem>>)
      %dma_wait3A_18 = tpu.memref_slice %arg5[%mul3A_16] : memref<16384xf32, #tpu.memory_space<hbm>> -> memref<512xf32, #tpu.memory_space<hbm>>
      %dma_wait3A_19 = tpu.memref_slice %arg5[%mul3A_16] : memref<16384xf32, #tpu.memory_space<hbm>> -> memref<512xf32, #tpu.memory_space<hbm>>
      tpu.wait_dma2 semaphore(%run_scoped3A : memref<!tpu.dma_semaphore, #tpu.memory_space<semaphore_mem>>) src(%arg8 : memref<512xf32, #tpu.memory_space<vmem>>) dst(%dma_wait3A_19 : memref<512xf32, #tpu.memory_space<hbm>>)
      tpu.yield
    }) : () -> ()
    return
  }
}

#map = affine_map<(d0, d1) -> (0)>
#map1 = affine_map<(d0, d1) -> (0, 0, 0, 0)>
module attributes {stable_mosaic.version = 14 : i64} {
  func.func @kern(%arg0: i32, %arg1: i32, %arg2: memref<1304576xf32, #tpu.memory_space<hbm>>, %arg3: memref<26x32x4x128xi32, #tpu.memory_space<hbm>>, %arg4: memref<16384xf32, #tpu.memory_space<hbm>>, %arg5: memref<13x4x128xi32, #tpu.memory_space<vmem>>, %arg6: memref<6656xf32, #tpu.memory_space<vmem>>, %arg7: memref<512xf32, #tpu.memory_space<vmem>>, %arg8: memref<!tpu.dma_semaphore, #tpu.memory_space<semaphore_mem>>) attributes {dimension_semantics = [#tpu.dimension_semantics<core_parallel>, #tpu.dimension_semantics<subcore_parallel>], iteration_bounds = array<i64: 2, 16>, scalar_prefetch = 0 : i64, scratch_operands = 4 : i64, tpu.core_type = #tpu.core_type<sc_vector_subcore>, window_params = [{transform_indices = #map}, {transform_indices = #map1}, {transform_indices = #map}]} {
    %mul3A = arith.constant 2 : i32
    %mul3A_0 = arith.muli %arg1, %mul3A : i32
    %add3A = arith.addi %mul3A_0, %arg0 : i32
    "tpu.region"() ({
      %run_scoped3A = tpu.sem_alloc : memref<!tpu.dma_semaphore, #tpu.memory_space<semaphore_mem>>
      %dma_start3A = arith.constant 0 : i32
      %dma_start3A_15 = arith.constant 0 : i32
      %dma_start3A_16 = arith.constant 0 : i32
      %dma_start3A_17 = tpu.memref_slice %arg3[%dma_start3A, %add3A, %dma_start3A_15, %dma_start3A_16] : memref<26x32x4x128xi32, #tpu.memory_space<hbm>> -> memref<13x1x4x128xi32, #tpu.memory_space<hbm>>
      %dma_start3A_18 = tpu.memref_squeeze %dma_start3A_17 : memref<13x1x4x128xi32, #tpu.memory_space<hbm>> -> memref<13x4x128xi32, #tpu.memory_space<hbm>>
      %dma_start3A_19 = arith.constant 0 : i32
      %dma_start3A_20 = arith.constant 0 : i32
      %dma_start3A_21 = arith.constant 0 : i32
      %dma_start3A_22 = tpu.memref_slice %arg3[%dma_start3A_19, %add3A, %dma_start3A_20, %dma_start3A_21] : memref<26x32x4x128xi32, #tpu.memory_space<hbm>> -> memref<13x1x4x128xi32, #tpu.memory_space<hbm>>
      %dma_start3A_23 = tpu.memref_squeeze %dma_start3A_22 : memref<13x1x4x128xi32, #tpu.memory_space<hbm>> -> memref<13x4x128xi32, #tpu.memory_space<hbm>>
      tpu.enqueue_dma source(%dma_start3A_23 : memref<13x4x128xi32, #tpu.memory_space<hbm>>) target(%arg5 : memref<13x4x128xi32, #tpu.memory_space<vmem>>) target_semaphore(%run_scoped3A : memref<!tpu.dma_semaphore, #tpu.memory_space<semaphore_mem>>)
      %dma_wait3A_24 = arith.constant 0 : i32
      %dma_wait3A_25 = arith.constant 0 : i32
      %dma_wait3A_26 = arith.constant 0 : i32
      %dma_wait3A_27 = tpu.memref_slice %arg3[%dma_wait3A_24, %add3A, %dma_wait3A_25, %dma_wait3A_26] : memref<26x32x4x128xi32, #tpu.memory_space<hbm>> -> memref<13x1x4x128xi32, #tpu.memory_space<hbm>>
      %dma_wait3A_28 = tpu.memref_squeeze %dma_wait3A_27 : memref<13x1x4x128xi32, #tpu.memory_space<hbm>> -> memref<13x4x128xi32, #tpu.memory_space<hbm>>
      %dma_wait3A_29 = arith.constant 0 : i32
      %dma_wait3A_30 = arith.constant 0 : i32
      %dma_wait3A_31 = arith.constant 0 : i32
      %dma_wait3A_32 = tpu.memref_slice %arg3[%dma_wait3A_29, %add3A, %dma_wait3A_30, %dma_wait3A_31] : memref<26x32x4x128xi32, #tpu.memory_space<hbm>> -> memref<13x1x4x128xi32, #tpu.memory_space<hbm>>
      %dma_wait3A_33 = tpu.memref_squeeze %dma_wait3A_32 : memref<13x1x4x128xi32, #tpu.memory_space<hbm>> -> memref<13x4x128xi32, #tpu.memory_space<hbm>>
      tpu.wait_dma2 semaphore(%run_scoped3A : memref<!tpu.dma_semaphore, #tpu.memory_space<semaphore_mem>>) src(%dma_wait3A_33 : memref<13x4x128xi32, #tpu.memory_space<hbm>>) dst(%arg5 : memref<13x4x128xi32, #tpu.memory_space<vmem>>)
      tpu.yield
    }) : () -> ()
    %scan3A = arith.constant 0 : i32
    %scan3A_1 = arith.constant 13 : i32
    %scan3A_2 = arith.addi %scan3A, %scan3A_1 : i32
    %scan3A_3 = arith.constant 1 : i32
    scf.for %scan3A_15 = %scan3A to %scan3A_2 step %scan3A_3  : i32 {
      %mul3A_16 = arith.constant 1 : i32
      %mul3A_17 = arith.muli %scan3A_15, %mul3A_16 : i32
      %add3A_18 = arith.constant 0 : i32
      %add3A_19 = arith.addi %add3A_18, %mul3A_17 : i32
      %mul3A_20 = arith.constant 4 : i32
      %mul3A_21 = arith.muli %add3A_19, %mul3A_20 : i32
      %add3A_22 = arith.constant 0 : i32
      %add3A_23 = arith.addi %mul3A_21, %add3A_22 : i32
      %mul3A_24 = arith.constant 128 : i32
      %mul3A_25 = arith.muli %add3A_23, %mul3A_24 : i32
      %dma_start3A = arith.constant 0 : i32
      %dma_start3A_26 = tpu.memref_slice %arg6[%mul3A_25] : memref<6656xf32, #tpu.memory_space<vmem>> -> memref<128xf32, #tpu.memory_space<vmem>>
      %dma_start3A_27 = arith.constant 0 : i32
      %dma_start3A_28 = tpu.memref_slice %arg5[%add3A_19, %dma_start3A, %dma_start3A_27] : memref<13x4x128xi32, #tpu.memory_space<vmem>> -> memref<1x1x128xi32, #tpu.memory_space<vmem>>
      %dma_start3A_29 = tpu.memref_squeeze %dma_start3A_28 : memref<1x1x128xi32, #tpu.memory_space<vmem>> -> memref<128xi32, #tpu.memory_space<vmem>>
      %dma_start3A_30 = arith.constant 0 : i32
      %dma_start3A_31 = tpu.memref_slice %arg2[%dma_start3A_30] : memref<1304576xf32, #tpu.memory_space<hbm>> -> memref<1304576xf32, #tpu.memory_space<hbm>>
      tpu.enqueue_indirect_dma source(%dma_start3A_31 : memref<1304576xf32, #tpu.memory_space<hbm>>) target(%dma_start3A_26 : memref<128xf32, #tpu.memory_space<vmem>>) offsets(%dma_start3A_29 : memref<128xi32, #tpu.memory_space<vmem>>) semaphore(%arg8 : memref<!tpu.dma_semaphore, #tpu.memory_space<semaphore_mem>>)
      %mul3A_32 = arith.constant 4 : i32
      %mul3A_33 = arith.muli %add3A_19, %mul3A_32 : i32
      %add3A_34 = arith.constant 1 : i32
      %add3A_35 = arith.addi %mul3A_33, %add3A_34 : i32
      %mul3A_36 = arith.constant 128 : i32
      %mul3A_37 = arith.muli %add3A_35, %mul3A_36 : i32
      %dma_start3A_38 = arith.constant 1 : i32
      %dma_start3A_39 = tpu.memref_slice %arg6[%mul3A_37] : memref<6656xf32, #tpu.memory_space<vmem>> -> memref<128xf32, #tpu.memory_space<vmem>>
      %dma_start3A_40 = arith.constant 0 : i32
      %dma_start3A_41 = tpu.memref_slice %arg5[%add3A_19, %dma_start3A_38, %dma_start3A_40] : memref<13x4x128xi32, #tpu.memory_space<vmem>> -> memref<1x1x128xi32, #tpu.memory_space<vmem>>
      %dma_start3A_42 = tpu.memref_squeeze %dma_start3A_41 : memref<1x1x128xi32, #tpu.memory_space<vmem>> -> memref<128xi32, #tpu.memory_space<vmem>>
      %dma_start3A_43 = arith.constant 0 : i32
      %dma_start3A_44 = tpu.memref_slice %arg2[%dma_start3A_43] : memref<1304576xf32, #tpu.memory_space<hbm>> -> memref<1304576xf32, #tpu.memory_space<hbm>>
      tpu.enqueue_indirect_dma source(%dma_start3A_44 : memref<1304576xf32, #tpu.memory_space<hbm>>) target(%dma_start3A_39 : memref<128xf32, #tpu.memory_space<vmem>>) offsets(%dma_start3A_42 : memref<128xi32, #tpu.memory_space<vmem>>) semaphore(%arg8 : memref<!tpu.dma_semaphore, #tpu.memory_space<semaphore_mem>>)
      %mul3A_45 = arith.constant 4 : i32
      %mul3A_46 = arith.muli %add3A_19, %mul3A_45 : i32
      %add3A_47 = arith.constant 2 : i32
      %add3A_48 = arith.addi %mul3A_46, %add3A_47 : i32
      %mul3A_49 = arith.constant 128 : i32
      %mul3A_50 = arith.muli %add3A_48, %mul3A_49 : i32
      %dma_start3A_51 = arith.constant 2 : i32
      %dma_start3A_52 = tpu.memref_slice %arg6[%mul3A_50] : memref<6656xf32, #tpu.memory_space<vmem>> -> memref<128xf32, #tpu.memory_space<vmem>>
      %dma_start3A_53 = arith.constant 0 : i32
      %dma_start3A_54 = tpu.memref_slice %arg5[%add3A_19, %dma_start3A_51, %dma_start3A_53] : memref<13x4x128xi32, #tpu.memory_space<vmem>> -> memref<1x1x128xi32, #tpu.memory_space<vmem>>
      %dma_start3A_55 = tpu.memref_squeeze %dma_start3A_54 : memref<1x1x128xi32, #tpu.memory_space<vmem>> -> memref<128xi32, #tpu.memory_space<vmem>>
      %dma_start3A_56 = arith.constant 0 : i32
      %dma_start3A_57 = tpu.memref_slice %arg2[%dma_start3A_56] : memref<1304576xf32, #tpu.memory_space<hbm>> -> memref<1304576xf32, #tpu.memory_space<hbm>>
      tpu.enqueue_indirect_dma source(%dma_start3A_57 : memref<1304576xf32, #tpu.memory_space<hbm>>) target(%dma_start3A_52 : memref<128xf32, #tpu.memory_space<vmem>>) offsets(%dma_start3A_55 : memref<128xi32, #tpu.memory_space<vmem>>) semaphore(%arg8 : memref<!tpu.dma_semaphore, #tpu.memory_space<semaphore_mem>>)
      %mul3A_58 = arith.constant 4 : i32
      %mul3A_59 = arith.muli %add3A_19, %mul3A_58 : i32
      %add3A_60 = arith.constant 3 : i32
      %add3A_61 = arith.addi %mul3A_59, %add3A_60 : i32
      %mul3A_62 = arith.constant 128 : i32
      %mul3A_63 = arith.muli %add3A_61, %mul3A_62 : i32
      %dma_start3A_64 = arith.constant 3 : i32
      %dma_start3A_65 = tpu.memref_slice %arg6[%mul3A_63] : memref<6656xf32, #tpu.memory_space<vmem>> -> memref<128xf32, #tpu.memory_space<vmem>>
      %dma_start3A_66 = arith.constant 0 : i32
      %dma_start3A_67 = tpu.memref_slice %arg5[%add3A_19, %dma_start3A_64, %dma_start3A_66] : memref<13x4x128xi32, #tpu.memory_space<vmem>> -> memref<1x1x128xi32, #tpu.memory_space<vmem>>
      %dma_start3A_68 = tpu.memref_squeeze %dma_start3A_67 : memref<1x1x128xi32, #tpu.memory_space<vmem>> -> memref<128xi32, #tpu.memory_space<vmem>>
      %dma_start3A_69 = arith.constant 0 : i32
      %dma_start3A_70 = tpu.memref_slice %arg2[%dma_start3A_69] : memref<1304576xf32, #tpu.memory_space<hbm>> -> memref<1304576xf32, #tpu.memory_space<hbm>>
      tpu.enqueue_indirect_dma source(%dma_start3A_70 : memref<1304576xf32, #tpu.memory_space<hbm>>) target(%dma_start3A_65 : memref<128xf32, #tpu.memory_space<vmem>>) offsets(%dma_start3A_68 : memref<128xi32, #tpu.memory_space<vmem>>) semaphore(%arg8 : memref<!tpu.dma_semaphore, #tpu.memory_space<semaphore_mem>>)
    }
    %scan3A_4 = arith.constant 13 : i32
    %dma_wait3A = arith.constant 0 : i32
    %dma_wait3A_5 = tpu.memref_slice %arg2[%dma_wait3A] : memref<1304576xf32, #tpu.memory_space<hbm>> -> memref<6656xf32, #tpu.memory_space<hbm>>
    %dma_wait3A_6 = arith.constant 0 : i32
    %dma_wait3A_7 = tpu.memref_slice %arg2[%dma_wait3A_6] : memref<1304576xf32, #tpu.memory_space<hbm>> -> memref<6656xf32, #tpu.memory_space<hbm>>
    tpu.wait_dma2 semaphore(%arg8 : memref<!tpu.dma_semaphore, #tpu.memory_space<semaphore_mem>>) src(%dma_wait3A_7 : memref<6656xf32, #tpu.memory_space<hbm>>) dst(%arg6 : memref<6656xf32, #tpu.memory_space<vmem>>)
    %scan3A_8 = arith.constant 0 : i32
    %scan3A_9 = arith.constant 32 : i32
    %scan3A_10 = arith.addi %scan3A_8, %scan3A_9 : i32
    %scan3A_11 = arith.constant 1 : i32
    scf.for %scan3A_15 = %scan3A_8 to %scan3A_10 step %scan3A_11  : i32 {
      %mul3A_16 = arith.constant 1 : i32
      %mul3A_17 = arith.muli %scan3A_15, %mul3A_16 : i32
      %add3A_18 = arith.constant 0 : i32
      %add3A_19 = arith.addi %add3A_18, %mul3A_17 : i32
      %mul3A_20 = arith.constant 16 : i32
      %mul3A_21 = arith.muli %add3A_19, %mul3A_20 : i32
      %get3A = arith.index_cast %mul3A_21 : i32 to index
      %get3A_22 = tpu.vector_load %arg6[%get3A] {strides = array<i32>} : memref<6656xf32, #tpu.memory_space<vmem>>, vector<16xf32>,
      %mul3A_23 = arith.constant 16 : i32
      %mul3A_24 = arith.muli %add3A_19, %mul3A_23 : i32
      %add3A_25 = arith.constant 512 : i32
      %add3A_26 = arith.addi %add3A_25, %mul3A_24 : i32
      %get3A_27 = arith.index_cast %add3A_26 : i32 to index
      %get3A_28 = tpu.vector_load %arg6[%get3A_27] {strides = array<i32>} : memref<6656xf32, #tpu.memory_space<vmem>>, vector<16xf32>,
      %add3A_29 = arith.addf %get3A_22, %get3A_28 : vector<16xf32>
      %mul3A_30 = arith.constant 16 : i32
      %mul3A_31 = arith.muli %add3A_19, %mul3A_30 : i32
      %add3A_32 = arith.constant 1024 : i32
      %add3A_33 = arith.addi %add3A_32, %mul3A_31 : i32
      %get3A_34 = arith.index_cast %add3A_33 : i32 to index
      %get3A_35 = tpu.vector_load %arg6[%get3A_34] {strides = array<i32>} : memref<6656xf32, #tpu.memory_space<vmem>>, vector<16xf32>,
      %add3A_36 = arith.addf %add3A_29, %get3A_35 : vector<16xf32>
      %mul3A_37 = arith.constant 16 : i32
      %mul3A_38 = arith.muli %add3A_19, %mul3A_37 : i32
      %add3A_39 = arith.constant 1536 : i32
      %add3A_40 = arith.addi %add3A_39, %mul3A_38 : i32
      %get3A_41 = arith.index_cast %add3A_40 : i32 to index
      %get3A_42 = tpu.vector_load %arg6[%get3A_41] {strides = array<i32>} : memref<6656xf32, #tpu.memory_space<vmem>>, vector<16xf32>,
      %add3A_43 = arith.addf %add3A_36, %get3A_42 : vector<16xf32>
      %mul3A_44 = arith.constant 16 : i32
      %mul3A_45 = arith.muli %add3A_19, %mul3A_44 : i32
      %add3A_46 = arith.constant 2048 : i32
      %add3A_47 = arith.addi %add3A_46, %mul3A_45 : i32
      %get3A_48 = arith.index_cast %add3A_47 : i32 to index
      %get3A_49 = tpu.vector_load %arg6[%get3A_48] {strides = array<i32>} : memref<6656xf32, #tpu.memory_space<vmem>>, vector<16xf32>,
      %add3A_50 = arith.addf %add3A_43, %get3A_49 : vector<16xf32>
      %mul3A_51 = arith.constant 16 : i32
      %mul3A_52 = arith.muli %add3A_19, %mul3A_51 : i32
      %add3A_53 = arith.constant 2560 : i32
      %add3A_54 = arith.addi %add3A_53, %mul3A_52 : i32
      %get3A_55 = arith.index_cast %add3A_54 : i32 to index
      %get3A_56 = tpu.vector_load %arg6[%get3A_55] {strides = array<i32>} : memref<6656xf32, #tpu.memory_space<vmem>>, vector<16xf32>,
      %add3A_57 = arith.addf %add3A_50, %get3A_56 : vector<16xf32>
      %mul3A_58 = arith.constant 16 : i32
      %mul3A_59 = arith.muli %add3A_19, %mul3A_58 : i32
      %add3A_60 = arith.constant 3072 : i32
      %add3A_61 = arith.addi %add3A_60, %mul3A_59 : i32
      %get3A_62 = arith.index_cast %add3A_61 : i32 to index
      %get3A_63 = tpu.vector_load %arg6[%get3A_62] {strides = array<i32>} : memref<6656xf32, #tpu.memory_space<vmem>>, vector<16xf32>,
      %add3A_64 = arith.addf %add3A_57, %get3A_63 : vector<16xf32>
      %mul3A_65 = arith.constant 16 : i32
      %mul3A_66 = arith.muli %add3A_19, %mul3A_65 : i32
      %add3A_67 = arith.constant 3584 : i32
      %add3A_68 = arith.addi %add3A_67, %mul3A_66 : i32
      %get3A_69 = arith.index_cast %add3A_68 : i32 to index
      %get3A_70 = tpu.vector_load %arg6[%get3A_69] {strides = array<i32>} : memref<6656xf32, #tpu.memory_space<vmem>>, vector<16xf32>,
      %add3A_71 = arith.addf %add3A_64, %get3A_70 : vector<16xf32>
      %mul3A_72 = arith.constant 16 : i32
      %mul3A_73 = arith.muli %add3A_19, %mul3A_72 : i32
      %add3A_74 = arith.constant 4096 : i32
      %add3A_75 = arith.addi %add3A_74, %mul3A_73 : i32
      %get3A_76 = arith.index_cast %add3A_75 : i32 to index
      %get3A_77 = tpu.vector_load %arg6[%get3A_76] {strides = array<i32>} : memref<6656xf32, #tpu.memory_space<vmem>>, vector<16xf32>,
      %add3A_78 = arith.addf %add3A_71, %get3A_77 : vector<16xf32>
      %mul3A_79 = arith.constant 16 : i32
      %mul3A_80 = arith.muli %add3A_19, %mul3A_79 : i32
      %add3A_81 = arith.constant 4608 : i32
      %add3A_82 = arith.addi %add3A_81, %mul3A_80 : i32
      %get3A_83 = arith.index_cast %add3A_82 : i32 to index
      %get3A_84 = tpu.vector_load %arg6[%get3A_83] {strides = array<i32>} : memref<6656xf32, #tpu.memory_space<vmem>>, vector<16xf32>,
      %add3A_85 = arith.addf %add3A_78, %get3A_84 : vector<16xf32>
      %mul3A_86 = arith.constant 16 : i32
      %mul3A_87 = arith.muli %add3A_19, %mul3A_86 : i32
      %add3A_88 = arith.constant 5120 : i32
      %add3A_89 = arith.addi %add3A_88, %mul3A_87 : i32
      %get3A_90 = arith.index_cast %add3A_89 : i32 to index
      %get3A_91 = tpu.vector_load %arg6[%get3A_90] {strides = array<i32>} : memref<6656xf32, #tpu.memory_space<vmem>>, vector<16xf32>,
      %add3A_92 = arith.addf %add3A_85, %get3A_91 : vector<16xf32>
      %mul3A_93 = arith.constant 16 : i32
      %mul3A_94 = arith.muli %add3A_19, %mul3A_93 : i32
      %add3A_95 = arith.constant 5632 : i32
      %add3A_96 = arith.addi %add3A_95, %mul3A_94 : i32
      %get3A_97 = arith.index_cast %add3A_96 : i32 to index
      %get3A_98 = tpu.vector_load %arg6[%get3A_97] {strides = array<i32>} : memref<6656xf32, #tpu.memory_space<vmem>>, vector<16xf32>,
      %add3A_99 = arith.addf %add3A_92, %get3A_98 : vector<16xf32>
      %mul3A_100 = arith.constant 16 : i32
      %mul3A_101 = arith.muli %add3A_19, %mul3A_100 : i32
      %add3A_102 = arith.constant 6144 : i32
      %add3A_103 = arith.addi %add3A_102, %mul3A_101 : i32
      %get3A_104 = arith.index_cast %add3A_103 : i32 to index
      %get3A_105 = tpu.vector_load %arg6[%get3A_104] {strides = array<i32>} : memref<6656xf32, #tpu.memory_space<vmem>>, vector<16xf32>,
      %add3A_106 = arith.addf %add3A_99, %get3A_105 : vector<16xf32>
      %mul3A_107 = arith.constant 16 : i32
      %mul3A_108 = arith.muli %add3A_19, %mul3A_107 : i32
      %swap3A = arith.index_cast %mul3A_108 : i32 to index
      %swap3A_109 = tpu.vector_load %arg7[%swap3A] {strides = array<i32>} : memref<512xf32, #tpu.memory_space<vmem>>, vector<16xf32>,
      tpu.vector_store %arg7[%swap3A], %add3A_106 {strides = array<i32>} : memref<512xf32, #tpu.memory_space<vmem>>, vector<16xf32>,
    }
    %scan3A_12 = arith.constant 32 : i32
    %mul3A_13 = arith.constant 512 : i32
    %mul3A_14 = arith.muli %add3A, %mul3A_13 : i32
    "tpu.region"() ({
      %run_scoped3A = tpu.sem_alloc : memref<!tpu.dma_semaphore, #tpu.memory_space<semaphore_mem>>
      %dma_start3A = tpu.memref_slice %arg4[%mul3A_14] : memref<16384xf32, #tpu.memory_space<hbm>> -> memref<512xf32, #tpu.memory_space<hbm>>
      %dma_start3A_15 = tpu.memref_slice %arg4[%mul3A_14] : memref<16384xf32, #tpu.memory_space<hbm>> -> memref<512xf32, #tpu.memory_space<hbm>>
      tpu.enqueue_dma source(%arg7 : memref<512xf32, #tpu.memory_space<vmem>>) target(%dma_start3A_15 : memref<512xf32, #tpu.memory_space<hbm>>) target_semaphore(%run_scoped3A : memref<!tpu.dma_semaphore, #tpu.memory_space<semaphore_mem>>)
      %dma_wait3A_16 = tpu.memref_slice %arg4[%mul3A_14] : memref<16384xf32, #tpu.memory_space<hbm>> -> memref<512xf32, #tpu.memory_space<hbm>>
      %dma_wait3A_17 = tpu.memref_slice %arg4[%mul3A_14] : memref<16384xf32, #tpu.memory_space<hbm>> -> memref<512xf32, #tpu.memory_space<hbm>>
      tpu.wait_dma2 semaphore(%run_scoped3A : memref<!tpu.dma_semaphore, #tpu.memory_space<semaphore_mem>>) src(%arg7 : memref<512xf32, #tpu.memory_space<vmem>>) dst(%dma_wait3A_17 : memref<512xf32, #tpu.memory_space<hbm>>)
      tpu.yield
    }) : () -> ()
    return
  }
}

module attributes {stable_mosaic.version = 14 : i64} {
  func.func @body(%arg0: i32, %arg1: memref<1x16x100000xf32, #tpu.memory_space<vmem>>, %arg2: memref<16x26xf32, #tpu.memory_space<smem>>, %arg3: memref<100352xf32, #tpu.memory_space<vmem>>) attributes {dimension_semantics = [#tpu.dimension_semantics<arbitrary>], iteration_bounds = array<i64: 13>, scalar_prefetch = 0 : i64, scratch_operands = 0 : i64, tpu.core_type = #tpu.core_type<tc>, window_params = [{transform_indices = @transform_0, window_bounds = array<i64: 1, 16, 100000>}, {transform_indices = @transform_1, window_bounds = array<i64: 16, 26>}, {transform_indices = @transform_2, window_bounds = array<i64: 100352>}]} {
    %add3A = arith.constant 0 : i32
    %add3A_0 = arith.addi %arg0, %add3A : i32
    %get3A = arith.constant 0 : index
    %get3A_1 = arith.constant 0 : index
    %get3A_2 = arith.constant 0 : index
    %get3A_3 = vector.load %arg1[%get3A, %get3A_1, %get3A_2] : memref<1x16x100000xf32, #tpu.memory_space<vmem>>, vector<1x16x100000xf32>
    %get3A_4 = vector.shape_cast %get3A_3 : vector<1x16x100000xf32> to vector<16x100000xf32>
    %iota3A = tpu.iota {dimensions = array<i32: 0>} : vector<16x1xi32>
    %get3A_5 = arith.constant 0 : index
    %get3A_6 = arith.index_cast %add3A_0 : i32 to index
    %get3A_7 = memref.load %arg2[%get3A_5, %get3A_6] : memref<16x26xf32, #tpu.memory_space<smem>>
    %broadcast_in_dim3A = vector.broadcast %get3A_7 : f32 to vector<16x1xf32>
    %eq3A = arith.constant 1 : i32
    %eq3A_8 = vector.broadcast %eq3A : i32 to vector<16x1xi32>
    %eq3A_9 = arith.cmpi eq, %iota3A, %eq3A_8 : vector<16x1xi32>
    %get3A_10 = arith.constant 1 : index
    %get3A_11 = arith.index_cast %add3A_0 : i32 to index
    %get3A_12 = memref.load %arg2[%get3A_10, %get3A_11] : memref<16x26xf32, #tpu.memory_space<smem>>
    %broadcast_in_dim3A_13 = vector.broadcast %get3A_12 : f32 to vector<16x1xf32>
    %select_n3A = arith.select %eq3A_9, %broadcast_in_dim3A_13, %broadcast_in_dim3A : vector<16x1xi1>, vector<16x1xf32>
    %eq3A_14 = arith.constant 2 : i32
    %eq3A_15 = vector.broadcast %eq3A_14 : i32 to vector<16x1xi32>
    %eq3A_16 = arith.cmpi eq, %iota3A, %eq3A_15 : vector<16x1xi32>
    %get3A_17 = arith.constant 2 : index
    %get3A_18 = arith.index_cast %add3A_0 : i32 to index
    %get3A_19 = memref.load %arg2[%get3A_17, %get3A_18] : memref<16x26xf32, #tpu.memory_space<smem>>
    %broadcast_in_dim3A_20 = vector.broadcast %get3A_19 : f32 to vector<16x1xf32>
    %select_n3A_21 = arith.select %eq3A_16, %broadcast_in_dim3A_20, %select_n3A : vector<16x1xi1>, vector<16x1xf32>
    %eq3A_22 = arith.constant 3 : i32
    %eq3A_23 = vector.broadcast %eq3A_22 : i32 to vector<16x1xi32>
    %eq3A_24 = arith.cmpi eq, %iota3A, %eq3A_23 : vector<16x1xi32>
    %get3A_25 = arith.constant 3 : index
    %get3A_26 = arith.index_cast %add3A_0 : i32 to index
    %get3A_27 = memref.load %arg2[%get3A_25, %get3A_26] : memref<16x26xf32, #tpu.memory_space<smem>>
    %broadcast_in_dim3A_28 = vector.broadcast %get3A_27 : f32 to vector<16x1xf32>
    %select_n3A_29 = arith.select %eq3A_24, %broadcast_in_dim3A_28, %select_n3A_21 : vector<16x1xi1>, vector<16x1xf32>
    %eq3A_30 = arith.constant 4 : i32
    %eq3A_31 = vector.broadcast %eq3A_30 : i32 to vector<16x1xi32>
    %eq3A_32 = arith.cmpi eq, %iota3A, %eq3A_31 : vector<16x1xi32>
    %get3A_33 = arith.constant 4 : index
    %get3A_34 = arith.index_cast %add3A_0 : i32 to index
    %get3A_35 = memref.load %arg2[%get3A_33, %get3A_34] : memref<16x26xf32, #tpu.memory_space<smem>>
    %broadcast_in_dim3A_36 = vector.broadcast %get3A_35 : f32 to vector<16x1xf32>
    %select_n3A_37 = arith.select %eq3A_32, %broadcast_in_dim3A_36, %select_n3A_29 : vector<16x1xi1>, vector<16x1xf32>
    %eq3A_38 = arith.constant 5 : i32
    %eq3A_39 = vector.broadcast %eq3A_38 : i32 to vector<16x1xi32>
    %eq3A_40 = arith.cmpi eq, %iota3A, %eq3A_39 : vector<16x1xi32>
    %get3A_41 = arith.constant 5 : index
    %get3A_42 = arith.index_cast %add3A_0 : i32 to index
    %get3A_43 = memref.load %arg2[%get3A_41, %get3A_42] : memref<16x26xf32, #tpu.memory_space<smem>>
    %broadcast_in_dim3A_44 = vector.broadcast %get3A_43 : f32 to vector<16x1xf32>
    %select_n3A_45 = arith.select %eq3A_40, %broadcast_in_dim3A_44, %select_n3A_37 : vector<16x1xi1>, vector<16x1xf32>
    %eq3A_46 = arith.constant 6 : i32
    %eq3A_47 = vector.broadcast %eq3A_46 : i32 to vector<16x1xi32>
    %eq3A_48 = arith.cmpi eq, %iota3A, %eq3A_47 : vector<16x1xi32>
    %get3A_49 = arith.constant 6 : index
    %get3A_50 = arith.index_cast %add3A_0 : i32 to index
    %get3A_51 = memref.load %arg2[%get3A_49, %get3A_50] : memref<16x26xf32, #tpu.memory_space<smem>>
    %broadcast_in_dim3A_52 = vector.broadcast %get3A_51 : f32 to vector<16x1xf32>
    %select_n3A_53 = arith.select %eq3A_48, %broadcast_in_dim3A_52, %select_n3A_45 : vector<16x1xi1>, vector<16x1xf32>
    %eq3A_54 = arith.constant 7 : i32
    %eq3A_55 = vector.broadcast %eq3A_54 : i32 to vector<16x1xi32>
    %eq3A_56 = arith.cmpi eq, %iota3A, %eq3A_55 : vector<16x1xi32>
    %get3A_57 = arith.constant 7 : index
    %get3A_58 = arith.index_cast %add3A_0 : i32 to index
    %get3A_59 = memref.load %arg2[%get3A_57, %get3A_58] : memref<16x26xf32, #tpu.memory_space<smem>>
    %broadcast_in_dim3A_60 = vector.broadcast %get3A_59 : f32 to vector<16x1xf32>
    %select_n3A_61 = arith.select %eq3A_56, %broadcast_in_dim3A_60, %select_n3A_53 : vector<16x1xi1>, vector<16x1xf32>
    %eq3A_62 = arith.constant 8 : i32
    %eq3A_63 = vector.broadcast %eq3A_62 : i32 to vector<16x1xi32>
    %eq3A_64 = arith.cmpi eq, %iota3A, %eq3A_63 : vector<16x1xi32>
    %get3A_65 = arith.constant 8 : index
    %get3A_66 = arith.index_cast %add3A_0 : i32 to index
    %get3A_67 = memref.load %arg2[%get3A_65, %get3A_66] : memref<16x26xf32, #tpu.memory_space<smem>>
    %broadcast_in_dim3A_68 = vector.broadcast %get3A_67 : f32 to vector<16x1xf32>
    %select_n3A_69 = arith.select %eq3A_64, %broadcast_in_dim3A_68, %select_n3A_61 : vector<16x1xi1>, vector<16x1xf32>
    %eq3A_70 = arith.constant 9 : i32
    %eq3A_71 = vector.broadcast %eq3A_70 : i32 to vector<16x1xi32>
    %eq3A_72 = arith.cmpi eq, %iota3A, %eq3A_71 : vector<16x1xi32>
    %get3A_73 = arith.constant 9 : index
    %get3A_74 = arith.index_cast %add3A_0 : i32 to index
    %get3A_75 = memref.load %arg2[%get3A_73, %get3A_74] : memref<16x26xf32, #tpu.memory_space<smem>>
    %broadcast_in_dim3A_76 = vector.broadcast %get3A_75 : f32 to vector<16x1xf32>
    %select_n3A_77 = arith.select %eq3A_72, %broadcast_in_dim3A_76, %select_n3A_69 : vector<16x1xi1>, vector<16x1xf32>
    %eq3A_78 = arith.constant 10 : i32
    %eq3A_79 = vector.broadcast %eq3A_78 : i32 to vector<16x1xi32>
    %eq3A_80 = arith.cmpi eq, %iota3A, %eq3A_79 : vector<16x1xi32>
    %get3A_81 = arith.constant 10 : index
    %get3A_82 = arith.index_cast %add3A_0 : i32 to index
    %get3A_83 = memref.load %arg2[%get3A_81, %get3A_82] : memref<16x26xf32, #tpu.memory_space<smem>>
    %broadcast_in_dim3A_84 = vector.broadcast %get3A_83 : f32 to vector<16x1xf32>
    %select_n3A_85 = arith.select %eq3A_80, %broadcast_in_dim3A_84, %select_n3A_77 : vector<16x1xi1>, vector<16x1xf32>
    %eq3A_86 = arith.constant 11 : i32
    %eq3A_87 = vector.broadcast %eq3A_86 : i32 to vector<16x1xi32>
    %eq3A_88 = arith.cmpi eq, %iota3A, %eq3A_87 : vector<16x1xi32>
    %get3A_89 = arith.constant 11 : index
    %get3A_90 = arith.index_cast %add3A_0 : i32 to index
    %get3A_91 = memref.load %arg2[%get3A_89, %get3A_90] : memref<16x26xf32, #tpu.memory_space<smem>>
    %broadcast_in_dim3A_92 = vector.broadcast %get3A_91 : f32 to vector<16x1xf32>
    %select_n3A_93 = arith.select %eq3A_88, %broadcast_in_dim3A_92, %select_n3A_85 : vector<16x1xi1>, vector<16x1xf32>
    %eq3A_94 = arith.constant 12 : i32
    %eq3A_95 = vector.broadcast %eq3A_94 : i32 to vector<16x1xi32>
    %eq3A_96 = arith.cmpi eq, %iota3A, %eq3A_95 : vector<16x1xi32>
    %get3A_97 = arith.constant 12 : index
    %get3A_98 = arith.index_cast %add3A_0 : i32 to index
    %get3A_99 = memref.load %arg2[%get3A_97, %get3A_98] : memref<16x26xf32, #tpu.memory_space<smem>>
    %broadcast_in_dim3A_100 = vector.broadcast %get3A_99 : f32 to vector<16x1xf32>
    %select_n3A_101 = arith.select %eq3A_96, %broadcast_in_dim3A_100, %select_n3A_93 : vector<16x1xi1>, vector<16x1xf32>
    %eq3A_102 = arith.constant 13 : i32
    %eq3A_103 = vector.broadcast %eq3A_102 : i32 to vector<16x1xi32>
    %eq3A_104 = arith.cmpi eq, %iota3A, %eq3A_103 : vector<16x1xi32>
    %get3A_105 = arith.constant 13 : index
    %get3A_106 = arith.index_cast %add3A_0 : i32 to index
    %get3A_107 = memref.load %arg2[%get3A_105, %get3A_106] : memref<16x26xf32, #tpu.memory_space<smem>>
    %broadcast_in_dim3A_108 = vector.broadcast %get3A_107 : f32 to vector<16x1xf32>
    %select_n3A_109 = arith.select %eq3A_104, %broadcast_in_dim3A_108, %select_n3A_101 : vector<16x1xi1>, vector<16x1xf32>
    %eq3A_110 = arith.constant 14 : i32
    %eq3A_111 = vector.broadcast %eq3A_110 : i32 to vector<16x1xi32>
    %eq3A_112 = arith.cmpi eq, %iota3A, %eq3A_111 : vector<16x1xi32>
    %get3A_113 = arith.constant 14 : index
    %get3A_114 = arith.index_cast %add3A_0 : i32 to index
    %get3A_115 = memref.load %arg2[%get3A_113, %get3A_114] : memref<16x26xf32, #tpu.memory_space<smem>>
    %broadcast_in_dim3A_116 = vector.broadcast %get3A_115 : f32 to vector<16x1xf32>
    %select_n3A_117 = arith.select %eq3A_112, %broadcast_in_dim3A_116, %select_n3A_109 : vector<16x1xi1>, vector<16x1xf32>
    %eq3A_118 = arith.constant 15 : i32
    %eq3A_119 = vector.broadcast %eq3A_118 : i32 to vector<16x1xi32>
    %eq3A_120 = arith.cmpi eq, %iota3A, %eq3A_119 : vector<16x1xi32>
    %get3A_121 = arith.constant 15 : index
    %get3A_122 = arith.index_cast %add3A_0 : i32 to index
    %get3A_123 = memref.load %arg2[%get3A_121, %get3A_122] : memref<16x26xf32, #tpu.memory_space<smem>>
    %broadcast_in_dim3A_124 = vector.broadcast %get3A_123 : f32 to vector<16x1xf32>
    %select_n3A_125 = arith.select %eq3A_120, %broadcast_in_dim3A_124, %select_n3A_117 : vector<16x1xi1>, vector<16x1xf32>
    %mul3A = vector.broadcast %select_n3A_125 : vector<16x1xf32> to vector<16x100000xf32>
    %mul3A_126 = arith.mulf %get3A_4, %mul3A : vector<16x100000xf32>
    %reduce_sum3A = arith.constant dense<0.000000e+00> : vector<100000xf32>
    %reduce_sum3A_127 = vector.multi_reduction <add>, %mul3A_126, %reduce_sum3A [0] : vector<16x100000xf32> to vector<100000xf32>
    %swap3A = arith.constant 0 : index
    %swap3A_128 = vector.load %arg3[%swap3A] : memref<100352xf32, #tpu.memory_space<vmem>>, vector<100000xf32>
    tpu.vector_store %arg3[%swap3A], %reduce_sum3A_127 {strides = array<i32>} : memref<100352xf32, #tpu.memory_space<vmem>>, vector<100000xf32>,
    return
  }
  func.func @transform_0(%arg0: i32) -> (i32, i32, i32) {
    %add3A = arith.constant 0 : i32
    %add3A_0 = arith.addi %arg0, %add3A : i32
    %c0_i32 = arith.constant 0 : i32
    %c0_i32_1 = arith.constant 0 : i32
    %c0_i32_2 = arith.constant 0 : i32
    return %add3A_0, %c0_i32, %c0_i32_1 : i32, i32, i32
  }
  func.func @transform_1(%arg0: i32) -> (i32, i32) {
    %c0_i32 = arith.constant 0 : i32
    %c0_i32_0 = arith.constant 0 : i32
    %c0_i32_1 = arith.constant 0 : i32
    return %c0_i32, %c0_i32_0 : i32, i32
  }
  func.func @transform_2(%arg0: i32) -> i32 {
    %c0_i32 = arith.constant 0 : i32
    return %arg0 : i32
  }
}

module attributes {stable_mosaic.version = 14 : i64} {
  func.func @body(%arg0: i32, %arg1: memref<1x16x100000xf32, #tpu.memory_space<vmem>>, %arg2: memref<16x26xf32, #tpu.memory_space<smem>>, %arg3: memref<100352xf32, #tpu.memory_space<vmem>>) attributes {dimension_semantics = [#tpu.dimension_semantics<arbitrary>], iteration_bounds = array<i64: 13>, scalar_prefetch = 0 : i64, scratch_operands = 0 : i64, tpu.core_type = #tpu.core_type<tc>, window_params = [{transform_indices = @transform_0, window_bounds = array<i64: 1, 16, 100000>}, {transform_indices = @transform_1, window_bounds = array<i64: 16, 26>}, {transform_indices = @transform_2, window_bounds = array<i64: 100352>}]} {
    %add3A = arith.constant 13 : i32
    %add3A_0 = arith.addi %arg0, %add3A : i32
    %get3A = arith.constant 0 : index
    %get3A_1 = arith.constant 0 : index
    %get3A_2 = arith.constant 0 : index
    %get3A_3 = vector.load %arg1[%get3A, %get3A_1, %get3A_2] : memref<1x16x100000xf32, #tpu.memory_space<vmem>>, vector<1x16x100000xf32>
    %get3A_4 = vector.shape_cast %get3A_3 : vector<1x16x100000xf32> to vector<16x100000xf32>
    %iota3A = tpu.iota {dimensions = array<i32: 0>} : vector<16x1xi32>
    %get3A_5 = arith.constant 0 : index
    %get3A_6 = arith.index_cast %add3A_0 : i32 to index
    %get3A_7 = memref.load %arg2[%get3A_5, %get3A_6] : memref<16x26xf32, #tpu.memory_space<smem>>
    %broadcast_in_dim3A = vector.broadcast %get3A_7 : f32 to vector<16x1xf32>
    %eq3A = arith.constant 1 : i32
    %eq3A_8 = vector.broadcast %eq3A : i32 to vector<16x1xi32>
    %eq3A_9 = arith.cmpi eq, %iota3A, %eq3A_8 : vector<16x1xi32>
    %get3A_10 = arith.constant 1 : index
    %get3A_11 = arith.index_cast %add3A_0 : i32 to index
    %get3A_12 = memref.load %arg2[%get3A_10, %get3A_11] : memref<16x26xf32, #tpu.memory_space<smem>>
    %broadcast_in_dim3A_13 = vector.broadcast %get3A_12 : f32 to vector<16x1xf32>
    %select_n3A = arith.select %eq3A_9, %broadcast_in_dim3A_13, %broadcast_in_dim3A : vector<16x1xi1>, vector<16x1xf32>
    %eq3A_14 = arith.constant 2 : i32
    %eq3A_15 = vector.broadcast %eq3A_14 : i32 to vector<16x1xi32>
    %eq3A_16 = arith.cmpi eq, %iota3A, %eq3A_15 : vector<16x1xi32>
    %get3A_17 = arith.constant 2 : index
    %get3A_18 = arith.index_cast %add3A_0 : i32 to index
    %get3A_19 = memref.load %arg2[%get3A_17, %get3A_18] : memref<16x26xf32, #tpu.memory_space<smem>>
    %broadcast_in_dim3A_20 = vector.broadcast %get3A_19 : f32 to vector<16x1xf32>
    %select_n3A_21 = arith.select %eq3A_16, %broadcast_in_dim3A_20, %select_n3A : vector<16x1xi1>, vector<16x1xf32>
    %eq3A_22 = arith.constant 3 : i32
    %eq3A_23 = vector.broadcast %eq3A_22 : i32 to vector<16x1xi32>
    %eq3A_24 = arith.cmpi eq, %iota3A, %eq3A_23 : vector<16x1xi32>
    %get3A_25 = arith.constant 3 : index
    %get3A_26 = arith.index_cast %add3A_0 : i32 to index
    %get3A_27 = memref.load %arg2[%get3A_25, %get3A_26] : memref<16x26xf32, #tpu.memory_space<smem>>
    %broadcast_in_dim3A_28 = vector.broadcast %get3A_27 : f32 to vector<16x1xf32>
    %select_n3A_29 = arith.select %eq3A_24, %broadcast_in_dim3A_28, %select_n3A_21 : vector<16x1xi1>, vector<16x1xf32>
    %eq3A_30 = arith.constant 4 : i32
    %eq3A_31 = vector.broadcast %eq3A_30 : i32 to vector<16x1xi32>
    %eq3A_32 = arith.cmpi eq, %iota3A, %eq3A_31 : vector<16x1xi32>
    %get3A_33 = arith.constant 4 : index
    %get3A_34 = arith.index_cast %add3A_0 : i32 to index
    %get3A_35 = memref.load %arg2[%get3A_33, %get3A_34] : memref<16x26xf32, #tpu.memory_space<smem>>
    %broadcast_in_dim3A_36 = vector.broadcast %get3A_35 : f32 to vector<16x1xf32>
    %select_n3A_37 = arith.select %eq3A_32, %broadcast_in_dim3A_36, %select_n3A_29 : vector<16x1xi1>, vector<16x1xf32>
    %eq3A_38 = arith.constant 5 : i32
    %eq3A_39 = vector.broadcast %eq3A_38 : i32 to vector<16x1xi32>
    %eq3A_40 = arith.cmpi eq, %iota3A, %eq3A_39 : vector<16x1xi32>
    %get3A_41 = arith.constant 5 : index
    %get3A_42 = arith.index_cast %add3A_0 : i32 to index
    %get3A_43 = memref.load %arg2[%get3A_41, %get3A_42] : memref<16x26xf32, #tpu.memory_space<smem>>
    %broadcast_in_dim3A_44 = vector.broadcast %get3A_43 : f32 to vector<16x1xf32>
    %select_n3A_45 = arith.select %eq3A_40, %broadcast_in_dim3A_44, %select_n3A_37 : vector<16x1xi1>, vector<16x1xf32>
    %eq3A_46 = arith.constant 6 : i32
    %eq3A_47 = vector.broadcast %eq3A_46 : i32 to vector<16x1xi32>
    %eq3A_48 = arith.cmpi eq, %iota3A, %eq3A_47 : vector<16x1xi32>
    %get3A_49 = arith.constant 6 : index
    %get3A_50 = arith.index_cast %add3A_0 : i32 to index
    %get3A_51 = memref.load %arg2[%get3A_49, %get3A_50] : memref<16x26xf32, #tpu.memory_space<smem>>
    %broadcast_in_dim3A_52 = vector.broadcast %get3A_51 : f32 to vector<16x1xf32>
    %select_n3A_53 = arith.select %eq3A_48, %broadcast_in_dim3A_52, %select_n3A_45 : vector<16x1xi1>, vector<16x1xf32>
    %eq3A_54 = arith.constant 7 : i32
    %eq3A_55 = vector.broadcast %eq3A_54 : i32 to vector<16x1xi32>
    %eq3A_56 = arith.cmpi eq, %iota3A, %eq3A_55 : vector<16x1xi32>
    %get3A_57 = arith.constant 7 : index
    %get3A_58 = arith.index_cast %add3A_0 : i32 to index
    %get3A_59 = memref.load %arg2[%get3A_57, %get3A_58] : memref<16x26xf32, #tpu.memory_space<smem>>
    %broadcast_in_dim3A_60 = vector.broadcast %get3A_59 : f32 to vector<16x1xf32>
    %select_n3A_61 = arith.select %eq3A_56, %broadcast_in_dim3A_60, %select_n3A_53 : vector<16x1xi1>, vector<16x1xf32>
    %eq3A_62 = arith.constant 8 : i32
    %eq3A_63 = vector.broadcast %eq3A_62 : i32 to vector<16x1xi32>
    %eq3A_64 = arith.cmpi eq, %iota3A, %eq3A_63 : vector<16x1xi32>
    %get3A_65 = arith.constant 8 : index
    %get3A_66 = arith.index_cast %add3A_0 : i32 to index
    %get3A_67 = memref.load %arg2[%get3A_65, %get3A_66] : memref<16x26xf32, #tpu.memory_space<smem>>
    %broadcast_in_dim3A_68 = vector.broadcast %get3A_67 : f32 to vector<16x1xf32>
    %select_n3A_69 = arith.select %eq3A_64, %broadcast_in_dim3A_68, %select_n3A_61 : vector<16x1xi1>, vector<16x1xf32>
    %eq3A_70 = arith.constant 9 : i32
    %eq3A_71 = vector.broadcast %eq3A_70 : i32 to vector<16x1xi32>
    %eq3A_72 = arith.cmpi eq, %iota3A, %eq3A_71 : vector<16x1xi32>
    %get3A_73 = arith.constant 9 : index
    %get3A_74 = arith.index_cast %add3A_0 : i32 to index
    %get3A_75 = memref.load %arg2[%get3A_73, %get3A_74] : memref<16x26xf32, #tpu.memory_space<smem>>
    %broadcast_in_dim3A_76 = vector.broadcast %get3A_75 : f32 to vector<16x1xf32>
    %select_n3A_77 = arith.select %eq3A_72, %broadcast_in_dim3A_76, %select_n3A_69 : vector<16x1xi1>, vector<16x1xf32>
    %eq3A_78 = arith.constant 10 : i32
    %eq3A_79 = vector.broadcast %eq3A_78 : i32 to vector<16x1xi32>
    %eq3A_80 = arith.cmpi eq, %iota3A, %eq3A_79 : vector<16x1xi32>
    %get3A_81 = arith.constant 10 : index
    %get3A_82 = arith.index_cast %add3A_0 : i32 to index
    %get3A_83 = memref.load %arg2[%get3A_81, %get3A_82] : memref<16x26xf32, #tpu.memory_space<smem>>
    %broadcast_in_dim3A_84 = vector.broadcast %get3A_83 : f32 to vector<16x1xf32>
    %select_n3A_85 = arith.select %eq3A_80, %broadcast_in_dim3A_84, %select_n3A_77 : vector<16x1xi1>, vector<16x1xf32>
    %eq3A_86 = arith.constant 11 : i32
    %eq3A_87 = vector.broadcast %eq3A_86 : i32 to vector<16x1xi32>
    %eq3A_88 = arith.cmpi eq, %iota3A, %eq3A_87 : vector<16x1xi32>
    %get3A_89 = arith.constant 11 : index
    %get3A_90 = arith.index_cast %add3A_0 : i32 to index
    %get3A_91 = memref.load %arg2[%get3A_89, %get3A_90] : memref<16x26xf32, #tpu.memory_space<smem>>
    %broadcast_in_dim3A_92 = vector.broadcast %get3A_91 : f32 to vector<16x1xf32>
    %select_n3A_93 = arith.select %eq3A_88, %broadcast_in_dim3A_92, %select_n3A_85 : vector<16x1xi1>, vector<16x1xf32>
    %eq3A_94 = arith.constant 12 : i32
    %eq3A_95 = vector.broadcast %eq3A_94 : i32 to vector<16x1xi32>
    %eq3A_96 = arith.cmpi eq, %iota3A, %eq3A_95 : vector<16x1xi32>
    %get3A_97 = arith.constant 12 : index
    %get3A_98 = arith.index_cast %add3A_0 : i32 to index
    %get3A_99 = memref.load %arg2[%get3A_97, %get3A_98] : memref<16x26xf32, #tpu.memory_space<smem>>
    %broadcast_in_dim3A_100 = vector.broadcast %get3A_99 : f32 to vector<16x1xf32>
    %select_n3A_101 = arith.select %eq3A_96, %broadcast_in_dim3A_100, %select_n3A_93 : vector<16x1xi1>, vector<16x1xf32>
    %eq3A_102 = arith.constant 13 : i32
    %eq3A_103 = vector.broadcast %eq3A_102 : i32 to vector<16x1xi32>
    %eq3A_104 = arith.cmpi eq, %iota3A, %eq3A_103 : vector<16x1xi32>
    %get3A_105 = arith.constant 13 : index
    %get3A_106 = arith.index_cast %add3A_0 : i32 to index
    %get3A_107 = memref.load %arg2[%get3A_105, %get3A_106] : memref<16x26xf32, #tpu.memory_space<smem>>
    %broadcast_in_dim3A_108 = vector.broadcast %get3A_107 : f32 to vector<16x1xf32>
    %select_n3A_109 = arith.select %eq3A_104, %broadcast_in_dim3A_108, %select_n3A_101 : vector<16x1xi1>, vector<16x1xf32>
    %eq3A_110 = arith.constant 14 : i32
    %eq3A_111 = vector.broadcast %eq3A_110 : i32 to vector<16x1xi32>
    %eq3A_112 = arith.cmpi eq, %iota3A, %eq3A_111 : vector<16x1xi32>
    %get3A_113 = arith.constant 14 : index
    %get3A_114 = arith.index_cast %add3A_0 : i32 to index
    %get3A_115 = memref.load %arg2[%get3A_113, %get3A_114] : memref<16x26xf32, #tpu.memory_space<smem>>
    %broadcast_in_dim3A_116 = vector.broadcast %get3A_115 : f32 to vector<16x1xf32>
    %select_n3A_117 = arith.select %eq3A_112, %broadcast_in_dim3A_116, %select_n3A_109 : vector<16x1xi1>, vector<16x1xf32>
    %eq3A_118 = arith.constant 15 : i32
    %eq3A_119 = vector.broadcast %eq3A_118 : i32 to vector<16x1xi32>
    %eq3A_120 = arith.cmpi eq, %iota3A, %eq3A_119 : vector<16x1xi32>
    %get3A_121 = arith.constant 15 : index
    %get3A_122 = arith.index_cast %add3A_0 : i32 to index
    %get3A_123 = memref.load %arg2[%get3A_121, %get3A_122] : memref<16x26xf32, #tpu.memory_space<smem>>
    %broadcast_in_dim3A_124 = vector.broadcast %get3A_123 : f32 to vector<16x1xf32>
    %select_n3A_125 = arith.select %eq3A_120, %broadcast_in_dim3A_124, %select_n3A_117 : vector<16x1xi1>, vector<16x1xf32>
    %mul3A = vector.broadcast %select_n3A_125 : vector<16x1xf32> to vector<16x100000xf32>
    %mul3A_126 = arith.mulf %get3A_4, %mul3A : vector<16x100000xf32>
    %reduce_sum3A = arith.constant dense<0.000000e+00> : vector<100000xf32>
    %reduce_sum3A_127 = vector.multi_reduction <add>, %mul3A_126, %reduce_sum3A [0] : vector<16x100000xf32> to vector<100000xf32>
    %swap3A = arith.constant 0 : index
    %swap3A_128 = vector.load %arg3[%swap3A] : memref<100352xf32, #tpu.memory_space<vmem>>, vector<100000xf32>
    tpu.vector_store %arg3[%swap3A], %reduce_sum3A_127 {strides = array<i32>} : memref<100352xf32, #tpu.memory_space<vmem>>, vector<100000xf32>,
    return
  }
  func.func @transform_0(%arg0: i32) -> (i32, i32, i32) {
    %add3A = arith.constant 13 : i32
    %add3A_0 = arith.addi %arg0, %add3A : i32
    %c0_i32 = arith.constant 0 : i32
    %c0_i32_1 = arith.constant 0 : i32
    %c0_i32_2 = arith.constant 0 : i32
    return %add3A_0, %c0_i32, %c0_i32_1 : i32, i32, i32
  }
  func.func @transform_1(%arg0: i32) -> (i32, i32) {
    %c0_i32 = arith.constant 0 : i32
    %c0_i32_0 = arith.constant 0 : i32
    %c0_i32_1 = arith.constant 0 : i32
    return %c0_i32, %c0_i32_0 : i32, i32
  }
  func.func @transform_2(%arg0: i32) -> i32 {
    %c0_i32 = arith.constant 0 : i32
    return %arg0 : i32
  }
}

</mosaic_0001>

<sc_bundles>
// kernel: kernel.6.cloned.1.call-start
scs
__scs_entry_jumppad:
0x0: {  	(pc) =	sbr.rel $0x88, $3  }
0x1: {  	(tag) =	ssettag $0x0;
	lr =	simm.s32 $0x1  }
0x2: {  	[smem:$0x3F9E] =	sst lr;
	_ =	strace $0xD0000000  }
0x3: {  	_ = 	snop  }
0x4: {  	_ = 	snop  }
0x5: {  	_ = 	snop  }
0x6: {  	_ = 	snop  }
0x7: {  	_ = 	snop  }
__scs_overlays_trampoline_lowered:
0x8: {  	[smem:$0x3FAD] =	sst s0  }
0x9: {  	[smem:$0x3FAE] =	sst s1  }
0xa: {  	[smem:$0x3FAF] =	sst s2  }
0xb: {  	[smem:$0x3FB0] =	sst s3  }
0xc: {  	[smem:$0x3FB1] =	sst s4  }
0xd: {  	[smem:$0x3FB2] =	sst s5  }
0xe: {  	[smem:$0x3FB3] =	sst s6  }
0xf: {  	[smem:$0x3FB4] =	sst s7  }
0x10: {  	[smem:$0x3FB5] =	sst s8  }
0x11: {  	[smem:$0x3FB6] =	sst s9;
	s0 =	simm.s32 @!p0 $0x0  }
0x12: {  	s1 =	sld [smem:$0x3F9C];
	s0 =	simm.s32 @p0 $0x1  }
0x13: {  	[smem:$0x3FB7] =	sst s0;
	s0 =	simm.s32 @!p1 $0x0  }
0x14: {  	s2 =	sld [smem:$0x3F9B];
	s0 =	simm.s32 @p1 $0x1  }
0x15: {  	[smem:$0x3FB8] =	sst s0;
	s0 =	simm.s32 @!p2 $0x0  }
0x16: {  	s3 =	sld [smem:$0x3FDB];
	s0 =	simm.s32 @p2 $0x1  }
0x17: {  	s4 =	simm.s32 $0x1BF5;
	[smem:$0x3FBA] =	sst s0  }
0x18: {  	s0 =	sld [smem:$0x3F9D];
	_ =	swait.ge [sflag:s4], $0x0  }
0x19: {  	s7 =	sld [smem:$0x3F9E]  }
0x1a: {  	s8 =	sadd.s32 $0xFFFFE003, lr  }
0x1b: {  	s9 =	sadd.s32 $0xFFFFFEF7, lr;
	s5 =	simm.s32 $0xFFFFFFFF;
	p2 =	slt.u32 s8, $0xFFFFF086  }
0x1c: {  	p1 =	slt.u32 s9, $0xF7A;
	s5 =	simm.s32 @!p2 $0x0  }
0x1d: {  	s5 =	simm.s32 @p1 $0x1;
	p0 =	seq.s32 s7, s2  }
0x1e: {  	s7 =	smul.u32 @!p0 $0xF7A, s2;
	p2 =	seq.s32 @!p0 s5, $0x0  }
0x1f: {  	s9 =	smul.u32 $0xF7A, s1;
	s8 =	simm.s32 @!p0 $0x1BF5;
	p2 =	por !p2, p0  }
0x20: {  	[sflag:s8] =	ssyncset.s32 @!p0 $0xFFFFF086;
	s6 =	sadd.s32 @!p0 s3, s7;
	s7 =	simm.s32 @!p0 $0x108  }
0x21: {  	s3 =	sadd.s32 s3, s9;
	s6 =	sadd.s32 @!p0 $0x88, s6;
	s7 =	simm.s32 @p2 $0x1082  }
0x22: {  	[simem:s7], [sflag:s8] =	dma.local @!p0 [hbm:s6], $0xF7A  }
0x23: {  	s9 =	sor.u32 $0xD0000000, s2;
	s6 =	simm.s32 $0x108;
	_ =	swait.ge @!p0 [sflag:s8], $0x0  }
0x24: {  	s3 =	sadd.s32 $0x88, s3;
	s6 =	simm.s32 @!p1 $0x1082;
	[sflag:s4] =	ssyncset.s32 $0xFFFFF086  }
0x25: {  	[simem:s6], [sflag:s4] =	dma.local [hbm:s3], $0xF7A  }
0x26: {  	[smem:$0x3F9E] =	sst s1;
	(tag) =	ssettag s2;
	_ =	strace s9  }
0x27: {  	s1 =	sld [smem:$0x3FAE]  }
0x28: {  	s2 =	sld [smem:$0x3FAF]  }
0x29: {  	s4 =	sld [smem:$0x3FB1]  }
0x2a: {  	p0 =	seq.s32 s5, $0x0;
	s5 =	sld [smem:$0x3FB2]  }
0x2b: {  	s6 =	sld [smem:$0x3FB3]  }
0x2c: {  	s7 =	sld [smem:$0x3FB4]  }
0x2d: {  	s3 =	simm.s32 $0x108;
	s8 =	sld [smem:$0x3FB5]  }
0x2e: {  	s3 =	simm.s32 @!p0 $0x1082;
	s9 =	sld [smem:$0x3FB6]  }
0x2f: {  	lr =	sadd.s32 s0, s3;
	s0 =	sld [smem:$0x3FAD]  }
0x30: {  	s3 =	sld [smem:$0x3FB0]  }
0x31: {  	[smem:$0x3FB9] =	sst s10  }
0x32: {  	s10 =	sld [smem:$0x3FB7];
	_ =	sdelay $0x3  }
0x33: {  	p0 =	seq.s32 s10, $0x1;
	s10 =	sld [smem:$0x3FB9];
	_ =	sdelay $0x3  }
0x34: {  	[smem:$0x3FB9] =	sst s10  }
0x35: {  	s10 =	sld [smem:$0x3FB8];
	_ =	sdelay $0x3  }
0x36: {  	p1 =	seq.s32 s10, $0x1;
	s10 =	sld [smem:$0x3FB9];
	_ =	sdelay $0x3  }
0x37: {  	[smem:$0x3FB9] =	sst s10  }
0x38: {  	s10 =	sld [smem:$0x3FBA]  }
0x39: {  	_ = 	snop;
	(pc) =	sbr.ind lr, $3  }
0x3a: {  	_ = 	snop  }
0x3b: {  	_ = 	snop  }
0x3c: {  	p2 =	seq.s32 s10, $0x1;
	s10 =	sld [smem:$0x3FB9]  }
0x3d: {  	_ =	shalt  }
0x3e: {  	_ =	shalt  }
0x3f: {  	_ =	shalt  }
0x40: {  	_ =	shalt  }
0x41: {  	_ =	shalt  }
0x42: {  	_ =	shalt  }
0x43: {  	_ =	shalt  }
0x44: {  	_ =	shalt  }
0x45: {  	_ =	shalt  }
0x46: {  	_ =	shalt  }
0x47: {  	_ =	shalt  }
0x48: {  	_ =	shalt  }
0x49: {  	_ =	shalt  }
0x4a: {  	_ =	shalt  }
0x4b: {  	_ =	shalt  }
0x4c: {  	_ =	shalt  }
0x4d: {  	_ =	shalt  }
0x4e: {  	_ =	shalt  }
0x4f: {  	_ =	shalt  }
0x50: {  	_ =	shalt  }
0x51: {  	_ =	shalt  }
0x52: {  	_ =	shalt  }
0x53: {  	_ =	shalt  }
0x54: {  	_ =	shalt  }
0x55: {  	_ =	shalt  }
0x56: {  	_ =	shalt  }
0x57: {  	_ =	shalt  }
0x58: {  	_ =	shalt  }
0x59: {  	_ =	shalt  }
0x5a: {  	_ =	shalt  }
0x5b: {  	_ =	shalt  }
0x5c: {  	_ =	shalt  }
0x5d: {  	_ =	shalt  }
0x5e: {  	_ =	shalt  }
0x5f: {  	_ =	shalt  }
0x60: {  	_ =	shalt  }
0x61: {  	_ =	shalt  }
0x62: {  	_ =	shalt  }
0x63: {  	_ =	shalt  }
0x64: {  	_ =	shalt  }
0x65: {  	_ =	shalt  }
0x66: {  	_ =	shalt  }
0x67: {  	_ =	shalt  }
0x68: {  	_ =	shalt  }
0x69: {  	_ =	shalt  }
0x6a: {  	_ =	shalt  }
0x6b: {  	_ =	shalt  }
0x6c: {  	_ =	shalt  }
0x6d: {  	_ =	shalt  }
0x6e: {  	_ =	shalt  }
0x6f: {  	_ =	shalt  }
0x70: {  	_ =	shalt  }
0x71: {  	_ =	shalt  }
0x72: {  	_ =	shalt  }
0x73: {  	_ =	shalt  }
0x74: {  	_ =	shalt  }
0x75: {  	_ =	shalt  }
0x76: {  	_ =	shalt  }
0x77: {  	_ =	shalt  }
0x78: {  	_ =	shalt  }
0x79: {  	_ =	shalt  }
0x7a: {  	_ =	shalt  }
0x7b: {  	_ =	shalt  }
0x7c: {  	_ =	shalt  }
0x7d: {  	_ =	shalt  }
0x7e: {  	_ =	shalt  }
0x7f: {  	_ =	shalt  }
0x80: {  	_ =	shalt  }
0x81: {  	_ =	shalt  }
0x82: {  	_ =	shalt  }
0x83: {  	_ =	shalt  }
0x84: {  	_ =	shalt  }
0x85: {  	_ =	shalt  }
0x86: {  	_ =	shalt  }
0x87: {  	_ =	shalt  }
.Lfunc_end0:
.L_simem_size_0:
called_computation_lowered:
.L_overlay_start_0:
0x88: {  	s2 =	sld [smem:$0x3FD9]  }
0x89: {  	s3 =	sld [smem:$0x3FFE];
	_ =	sdelay $0x1  }
0x8a: {  	s1 =	srdreg.scid  }
0x8b: {  	s0 =	sand.u32 $0x1, s1  }
0x8c: {  	s16 =	sshll.u32 s0, $0xA;
	s2 =	sadd.s32 s3, s2  }
0x8d: {  	s2 =	sadd.s32 s2, s16  }
0x8e: {  	[smem:$0x3FC5] =	sst s2  }
0x8f: {  	_ = 	snop  }
0x90: {  	(tm) =	ssettm $0x1  }
0x91: {  	s17 =	sld [smem:$0x3FFB];
	_ =	sdelay $0x3  }
0x92: {  	_ =	strace s17  }
0x93: {  	s2 =	sld [smem:$0x3FFC];
	_ =	sdelay $0x3  }
0x94: {  	_ =	strace s2  }
0x95: {  	s2 =	sld [smem:$0x3FFD];
	_ =	sdelay $0x3  }
0x96: {  	_ =	strace s2  }
0x97: {  	_ =	strace $0x8FFFFFFF  }
0x98: {  	s18 =	sld [smem:$0x3FDB];
	_ =	sdelay $0x1  }
0x99: {  	s19 =	simm.s32 $_scs_section_size  }
0x9a: {  	s4 =	simm.s32 $_size__tile_overlayer_lowered;
	s5 =	simm.s32 $_tile_overlayer_lowered  }
0x9b: {  	s22 =	simm.s32 $0x1BFF;
	s21 =	sshll.u32 s5, $0x1;
	s2 =	sadd.s32 s19, s18  }
0x9c: {  	s6 =	simm.s32 $0x0;
	s20 =	sshll.u32 s4, $0x1;
	s4 =	sadd.s32 s21, s2  }
0x9d: {  	[timem:s6], [sflag:s22] =	dma.local [hbm:s4], s20  }
0x9e: {  	_ =	swait.ge [sflag:s22], s20  }
0x9f: {  	s3 =	ssub.s32 $0x0, s20;
	[sflag:s22] =	ssyncset.done $0x0  }
0xa0: {  	[sflag:s22] =	ssyncadd.s32 s3;
	_ =	sdelay $0x1  }
0xa1: {  	s23 =	simm.s32 $0x1B8B  }
0xa2: {  	_ =	swait.ge [sflag:s23], $0x1  }
0xa3: {  	[sflag:s23] =	ssyncset.done $0x0  }
0xa4: {  	s25 =	simm.s32 $0x1B8E;
	s24 =	sld [smem:$0x3FFE];
	[sflag:s23] =	ssyncadd.s32 $0xFFFFFFFF  }
0xa5: {  	s26 =	simm.s32 $execute0_lowered;
	[smem:$0x3FD2] =	sst s25  }
0xa6: {  	s4 =	sshll.u32 s26, $0x1;
	_ =	strace $0x80000046;
	[dreg:$0x1] =	wrdreg $0xFFFFFFFF  }
0xa7: {  	s28 =	simm.s32 $_size_execute0_lowered;
	s2 =	sadd.s32 s2, s4;
	[dreg:$0x0] =	wrdreg $0x0  }
0xa8: {  	s4 =	sshll.u32 s28, $0x1;
	[dreg:$0x2] =	wrdreg s2  }
0xa9: {  	[dreg:$0x3] =	wrdreg s4  }
0xaa: {  	[dreg:$0x4] =	wrdreg $0xC0  }
0xab: {  	_ =	task [dreg:s6], $0x5FFFF  }
0xac: {  	[dreg:$0x1] =	wrdreg $0xFFFFFFFF  }
0xad: {  	[dreg:$0x0] =	wrdreg $0x60  }
0xae: {  	[dreg:$0x2] =	wrdreg s24  }
0xaf: {  	[dreg:$0x3] =	wrdreg $0x9  }
0xb0: {  	_ =	task.clear_ibuf [dreg:s6], $0x4FFFF;
	_ =	strace $0x90000046  }
0xb1: {  	s29 =	simm.s32 $0x9;
	_ =	strace $0x80000048  }
0xb2: {  	_ =	swait.ge [sflag:s29], $0x1  }
0xb3: {  	[sflag:s29] =	ssyncadd.s32 $0xFFFFFFFF  }
0xb4: {  	_ =	strace $0x90000048  }
0xb5: {  	_ =	sfence  }
0xb6: {  	s30 =	sld [smem:$0x0];
	_ =	sdelay $0x2  }
0xb7: {  	s31 =	sshll.u32 s1, $0xD;
	s1 =	sshrl.u32 s1, $0x2  }
0xb8: {  	s3 =	sand.u32 $0x4000, s31;
	s1 =	sadd.s32 s1, s30  }
0xb9: {  	s0 =	sor.u32 s3, s0;
	s1 =	sshll.u32 s1, $0x11  }
0xba: {  	s0 =	sor.u32 s1, s0  }
0xbb: {  	s0 =	sadd.s32 $0x8F2B, s0  }
0xbc: {  	[sflag:s0] =	ssyncadd.remote.s32 $0x1  }
0xbd: {  	_ =	sfence.sel $0xFFFF  }
0xbe: {  	[dreg:$0x0] =	wrdreg $0xFFFFFFFF;
	(pc) =	sbr.abs _section_cstart, $3  }
0xbf: {  	[dreg:$0x1] =	wrdreg $0xFFFFFFFF  }
0xc0: {  	_ =	task.clear_ibuf [dreg:s6], $0x2FFFF;
	_ =	strace $0x9FFFFFFF  }
0xc1: {  	(tm) =	ssettm $0x7FFFFFFF  }
tec
execute0_lowered:
.L_overlay_start_1:
0x0: {  	(tag) =	ssettag $0x1  }
0x1: {  	s0 =	rddreg [dreg:$0x0]  }
0x2: {  	s2 =	simm.s32 $0x0;
	s1 =	srdreg.scid;
	s3 =	stileid.u32  }
0x3: {  	s7 =	simm.s32 $0x200;
	s9 =	simm.s32 $0x2;
	s10 =	simm.s32 $0x80  }
0x4: {  	s28 =	simm.s32 $0x1600;
	s29 =	simm.s32 $0x3000;
	s30 =	simm.s32 $0x1680  }
0x5: {  	s31 =	simm.s32 $0x3080;
	s8 =	simm.s32 $0x1780;
	s11 =	simm.s32 $0x3180  }
0x6: {  	s12 =	simm.s32 $0x1800;
	s13 =	simm.s32 $0x3200;
	s14 =	simm.s32 $0x1880  }
0x7: {  	s15 =	simm.s32 $0x3280;
	s16 =	simm.s32 $0x1900;
	s17 =	simm.s32 $0x3300  }
0x8: {  	s18 =	simm.s32 $0x1980;
	s19 =	simm.s32 $0x3380;
	s20 =	simm.s32 $0x1  }
0x9: {  	s21 =	simm.s32 $0x3400;
	s22 =	simm.s32 $0x0;
	s1 =	sand.u32 $0x1, s1  }
0xa: {  	[smem:$0x7FF] =	sst s2;
	s3 =	sshll.u32 s3, $0x7;
	s4 =	sshll.u32 s1, $0x6  }
0xb: {  	s1 =	ssub.s32 $0x2, s1;
	_ =	strace $0x80000047;
	s4 =	sor.u32 s4, s3  }
0xc: {  	s5 =	sshrl.u32 s1, $0x1;
	s3 =	sadd.s32 $0xD800, s0;
	s0 =	sadd.s32 s4, s0  }
0xd: {  	s1 =	ssub.s32 s1, s5;
	s4 =	sadd.s32 $0x800, s0;
	s5 =	sadd.s32 $0x35600, s0  }
0xe: {  	s6 =	smax.u32 s1, $0x1;
	s0 =	simm.s32 $0x1700;
	s1 =	simm.s32 $0x3100  }
.LBB2_1:
0xf: {  	s23 =	simm.s32 $0x4000  }
0x10: {  	[tilespmem:s2], [sflag:$0x2] =	stream.strided.gather [hbm4b:s4+s7], $0x1A00, s23, s7, $0x38;
	[tilespmem:$0x3600] =	vst v63  }
0x11: {  	_ =	swait.ge [sflag:s9], $0x1A00  }
0x12: {  	[sflag:s9] =	ssyncset.done $0x0  }
0x13: {  	s24 =	simm.s32 $0x1A00;
	[sflag:s9] =	ssyncadd.s32 $0xFFFFE600  }
0x14: {  	[tilespmem:s24], [sflag:$0x1] =	stream.indirect.gather [hbm4b:s3+s10], $0x1, s2, s10, $0xb8;
	[tilespmem:$0x3600] =	vst v63  }
0x15: {  	s25 =	simm.s32 $0x1A80  }
0x16: {  	[tilespmem:s25], [sflag:$0x1] =	stream.indirect.gather [hbm4b:s3+s10], $0x1, s10, s10, $0xb8;
	[tilespmem:$0x3600] =	vst v63  }
0x17: {  	s26 =	simm.s32 $0x100;
	s24 =	simm.s32 $0x1B00  }
0x18: {  	[tilespmem:s24], [sflag:$0x1] =	stream.indirect.gather [hbm4b:s3+s10], $0x1, s26, s10, $0xb8;
	[tilespmem:$0x3600] =	vst v63  }
0x19: {  	s25 =	simm.s32 $0x180;
	s26 =	simm.s32 $0x1B80  }
0x1a: {  	[tilespmem:s26], [sflag:$0x1] =	stream.indirect.gather [hbm4b:s3+s10], $0x1, s25, s10, $0xb8;
	[tilespmem:$0x3600] =	vst v63  }
0x1b: {  	s24 =	simm.s32 $0x1C00  }
0x1c: {  	[tilespmem:s24], [sflag:$0x1] =	stream.indirect.gather [hbm4b:s3+s10], $0x1, s7, s10, $0xb8;
	[tilespmem:$0x3600] =	vst v63  }
0x1d: {  	s25 =	simm.s32 $0x280;
	s26 =	simm.s32 $0x1C80  }
0x1e: {  	[tilespmem:s26], [sflag:$0x1] =	stream.indirect.gather [hbm4b:s3+s10], $0x1, s25, s10, $0xb8;
	[tilespmem:$0x3600] =	vst v63  }
0x1f: {  	s25 =	simm.s32 $0x300;
	s26 =	simm.s32 $0x1D00  }
0x20: {  	[tilespmem:s26], [sflag:$0x1] =	stream.indirect.gather [hbm4b:s3+s10], $0x1, s25, s10, $0xb8;
	[tilespmem:$0x3600] =	vst v63  }
0x21: {  	s25 =	simm.s32 $0x380;
	s26 =	simm.s32 $0x1D80  }
0x22: {  	[tilespmem:s26], [sflag:$0x1] =	stream.indirect.gather [hbm4b:s3+s10], $0x1, s25, s10, $0xb8;
	[tilespmem:$0x3600] =	vst v63  }
0x23: {  	s25 =	simm.s32 $0x400;
	s26 =	simm.s32 $0x1E00  }
0x24: {  	[tilespmem:s26], [sflag:$0x1] =	stream.indirect.gather [hbm4b:s3+s10], $0x1, s25, s10, $0xb8;
	[tilespmem:$0x3600] =	vst v63  }
0x25: {  	s25 =	simm.s32 $0x480;
	s26 =	simm.s32 $0x1E80  }
0x26: {  	[tilespmem:s26], [sflag:$0x1] =	stream.indirect.gather [hbm4b:s3+s10], $0x1, s25, s10, $0xb8;
	[tilespmem:$0x3600] =	vst v63  }
0x27: {  	s25 =	simm.s32 $0x500;
	s26 =	simm.s32 $0x1F00  }
0x28: {  	[tilespmem:s26], [sflag:$0x1] =	stream.indirect.gather [hbm4b:s3+s10], $0x1, s25, s10, $0xb8;
	[tilespmem:$0x3600] =	vst v63  }
0x29: {  	s25 =	simm.s32 $0x580;
	s26 =	simm.s32 $0x1F80  }
0x2a: {  	[tilespmem:s26], [sflag:$0x1] =	stream.indirect.gather [hbm4b:s3+s10], $0x1, s25, s10, $0xb8;
	[tilespmem:$0x3600] =	vst v63  }
0x2b: {  	s25 =	simm.s32 $0x600;
	s26 =	simm.s32 $0x2000  }
0x2c: {  	[tilespmem:s26], [sflag:$0x1] =	stream.indirect.gather [hbm4b:s3+s10], $0x1, s25, s10, $0xb8;
	[tilespmem:$0x3600] =	vst v63  }
0x2d: {  	s25 =	simm.s32 $0x680;
	s26 =	simm.s32 $0x2080  }
0x2e: {  	[tilespmem:s26], [sflag:$0x1] =	stream.indirect.gather [hbm4b:s3+s10], $0x1, s25, s10, $0xb8;
	[tilespmem:$0x3600] =	vst v63  }
0x2f: {  	s25 =	simm.s32 $0x700;
	s26 =	simm.s32 $0x2100  }
0x30: {  	[tilespmem:s26], [sflag:$0x1] =	stream.indirect.gather [hbm4b:s3+s10], $0x1, s25, s10, $0xb8;
	[tilespmem:$0x3600] =	vst v63  }
0x31: {  	s25 =	simm.s32 $0x780;
	s26 =	simm.s32 $0x2180  }
0x32: {  	[tilespmem:s26], [sflag:$0x1] =	stream.indirect.gather [hbm4b:s3+s10], $0x1, s25, s10, $0xb8;
	[tilespmem:$0x3600] =	vst v63  }
0x33: {  	s25 =	simm.s32 $0x800;
	s26 =	simm.s32 $0x2200  }
0x34: {  	[tilespmem:s26], [sflag:$0x1] =	stream.indirect.gather [hbm4b:s3+s10], $0x1, s25, s10, $0xb8;
	[tilespmem:$0x3600] =	vst v63  }
0x35: {  	s25 =	simm.s32 $0x880;
	s26 =	simm.s32 $0x2280  }
0x36: {  	[tilespmem:s26], [sflag:$0x1] =	stream.indirect.gather [hbm4b:s3+s10], $0x1, s25, s10, $0xb8;
	[tilespmem:$0x3600] =	vst v63  }
0x37: {  	s25 =	simm.s32 $0x900;
	s26 =	simm.s32 $0x2300  }
0x38: {  	[tilespmem:s26], [sflag:$0x1] =	stream.indirect.gather [hbm4b:s3+s10], $0x1, s25, s10, $0xb8;
	[tilespmem:$0x3600] =	vst v63  }
0x39: {  	s25 =	simm.s32 $0x980;
	s26 =	simm.s32 $0x2380  }
0x3a: {  	[tilespmem:s26], [sflag:$0x1] =	stream.indirect.gather [hbm4b:s3+s10], $0x1, s25, s10, $0xb8;
	[tilespmem:$0x3600] =	vst v63  }
0x3b: {  	s25 =	simm.s32 $0xA00;
	s26 =	simm.s32 $0x2400  }
0x3c: {  	[tilespmem:s26], [sflag:$0x1] =	stream.indirect.gather [hbm4b:s3+s10], $0x1, s25, s10, $0xb8;
	[tilespmem:$0x3600] =	vst v63  }
0x3d: {  	s25 =	simm.s32 $0xA80;
	s26 =	simm.s32 $0x2480  }
0x3e: {  	[tilespmem:s26], [sflag:$0x1] =	stream.indirect.gather [hbm4b:s3+s10], $0x1, s25, s10, $0xb8;
	[tilespmem:$0x3600] =	vst v63  }
0x3f: {  	s25 =	simm.s32 $0xB00;
	s26 =	simm.s32 $0x2500  }
0x40: {  	[tilespmem:s26], [sflag:$0x1] =	stream.indirect.gather [hbm4b:s3+s10], $0x1, s25, s10, $0xb8;
	[tilespmem:$0x3600] =	vst v63  }
0x41: {  	s25 =	simm.s32 $0xB80;
	s26 =	simm.s32 $0x2580  }
0x42: {  	[tilespmem:s26], [sflag:$0x1] =	stream.indirect.gather [hbm4b:s3+s10], $0x1, s25, s10, $0xb8;
	[tilespmem:$0x3600] =	vst v63  }
0x43: {  	s25 =	simm.s32 $0xC00;
	s26 =	simm.s32 $0x2600  }
0x44: {  	[tilespmem:s26], [sflag:$0x1] =	stream.indirect.gather [hbm4b:s3+s10], $0x1, s25, s10, $0xb8;
	[tilespmem:$0x3600] =	vst v63  }
0x45: {  	s25 =	simm.s32 $0xC80;
	s26 =	simm.s32 $0x2680  }
0x46: {  	[tilespmem:s26], [sflag:$0x1] =	stream.indirect.gather [hbm4b:s3+s10], $0x1, s25, s10, $0xb8;
	[tilespmem:$0x3600] =	vst v63  }
0x47: {  	s25 =	simm.s32 $0xD00;
	s26 =	simm.s32 $0x2700  }
0x48: {  	[tilespmem:s26], [sflag:$0x1] =	stream.indirect.gather [hbm4b:s3+s10], $0x1, s25, s10, $0xb8;
	[tilespmem:$0x3600] =	vst v63  }
0x49: {  	s25 =	simm.s32 $0xD80;
	s26 =	simm.s32 $0x2780  }
0x4a: {  	[tilespmem:s26], [sflag:$0x1] =	stream.indirect.gather [hbm4b:s3+s10], $0x1, s25, s10, $0xb8;
	[tilespmem:$0x3600] =	vst v63  }
0x4b: {  	s25 =	simm.s32 $0xE00;
	s26 =	simm.s32 $0x2800  }
0x4c: {  	[tilespmem:s26], [sflag:$0x1] =	stream.indirect.gather [hbm4b:s3+s10], $0x1, s25, s10, $0xb8;
	[tilespmem:$0x3600] =	vst v63  }
0x4d: {  	s25 =	simm.s32 $0xE80;
	s26 =	simm.s32 $0x2880  }
0x4e: {  	[tilespmem:s26], [sflag:$0x1] =	stream.indirect.gather [hbm4b:s3+s10], $0x1, s25, s10, $0xb8;
	[tilespmem:$0x3600] =	vst v63  }
0x4f: {  	s25 =	simm.s32 $0xF00;
	s26 =	simm.s32 $0x2900  }
0x50: {  	[tilespmem:s26], [sflag:$0x1] =	stream.indirect.gather [hbm4b:s3+s10], $0x1, s25, s10, $0xb8;
	[tilespmem:$0x3600] =	vst v63  }
0x51: {  	s25 =	simm.s32 $0xF80;
	s26 =	simm.s32 $0x2980  }
0x52: {  	[tilespmem:s26], [sflag:$0x1] =	stream.indirect.gather [hbm4b:s3+s10], $0x1, s25, s10, $0xb8;
	[tilespmem:$0x3600] =	vst v63  }
0x53: {  	s25 =	simm.s32 $0x1000;
	s26 =	simm.s32 $0x2A00  }
0x54: {  	[tilespmem:s26], [sflag:$0x1] =	stream.indirect.gather [hbm4b:s3+s10], $0x1, s25, s10, $0xb8;
	[tilespmem:$0x3600] =	vst v63  }
0x55: {  	s25 =	simm.s32 $0x1080;
	s26 =	simm.s32 $0x2A80  }
0x56: {  	[tilespmem:s26], [sflag:$0x1] =	stream.indirect.gather [hbm4b:s3+s10], $0x1, s25, s10, $0xb8;
	[tilespmem:$0x3600] =	vst v63  }
0x57: {  	s25 =	simm.s32 $0x1100;
	s26 =	simm.s32 $0x2B00  }
0x58: {  	[tilespmem:s26], [sflag:$0x1] =	stream.indirect.gather [hbm4b:s3+s10], $0x1, s25, s10, $0xb8;
	[tilespmem:$0x3600] =	vst v63  }
0x59: {  	s25 =	simm.s32 $0x1180;
	s26 =	simm.s32 $0x2B80  }
0x5a: {  	[tilespmem:s26], [sflag:$0x1] =	stream.indirect.gather [hbm4b:s3+s10], $0x1, s25, s10, $0xb8;
	[tilespmem:$0x3600] =	vst v63  }
0x5b: {  	s25 =	simm.s32 $0x1200;
	s26 =	simm.s32 $0x2C00  }
0x5c: {  	[tilespmem:s26], [sflag:$0x1] =	stream.indirect.gather [hbm4b:s3+s10], $0x1, s25, s10, $0xb8;
	[tilespmem:$0x3600] =	vst v63  }
0x5d: {  	s25 =	simm.s32 $0x1280;
	s26 =	simm.s32 $0x2C80  }
0x5e: {  	[tilespmem:s26], [sflag:$0x1] =	stream.indirect.gather [hbm4b:s3+s10], $0x1, s25, s10, $0xb8;
	[tilespmem:$0x3600] =	vst v63  }
0x5f: {  	s25 =	simm.s32 $0x1300;
	s26 =	simm.s32 $0x2D00  }
0x60: {  	[tilespmem:s26], [sflag:$0x1] =	stream.indirect.gather [hbm4b:s3+s10], $0x1, s25, s10, $0xb8;
	[tilespmem:$0x3600] =	vst v63  }
0x61: {  	s25 =	simm.s32 $0x1380;
	s26 =	simm.s32 $0x2D80  }
0x62: {  	[tilespmem:s26], [sflag:$0x1] =	stream.indirect.gather [hbm4b:s3+s10], $0x1, s25, s10, $0xb8;
	[tilespmem:$0x3600] =	vst v63  }
0x63: {  	s25 =	simm.s32 $0x1400;
	s26 =	simm.s32 $0x2E00  }
0x64: {  	[tilespmem:s26], [sflag:$0x1] =	stream.indirect.gather [hbm4b:s3+s10], $0x1, s25, s10, $0xb8;
	[tilespmem:$0x3600] =	vst v63  }
0x65: {  	s25 =	simm.s32 $0x1480;
	s26 =	simm.s32 $0x2E80  }
0x66: {  	[tilespmem:s26], [sflag:$0x1] =	stream.indirect.gather [hbm4b:s3+s10], $0x1, s25, s10, $0xb8;
	[tilespmem:$0x3600] =	vst v63  }
0x67: {  	s25 =	simm.s32 $0x1500;
	s26 =	simm.s32 $0x2F00  }
0x68: {  	[tilespmem:s26], [sflag:$0x1] =	stream.indirect.gather [hbm4b:s3+s10], $0x1, s25, s10, $0xb8;
	[tilespmem:$0x3600] =	vst v63  }
0x69: {  	s25 =	simm.s32 $0x1580;
	s26 =	simm.s32 $0x2F80  }
0x6a: {  	[tilespmem:s26], [sflag:$0x1] =	stream.indirect.gather [hbm4b:s3+s10], $0x1, s25, s10, $0xb8;
	[tilespmem:$0x3600] =	vst v63  }
0x6b: {  	_ = 	snop  }
0x6c: {  	[tilespmem:s29], [sflag:$0x1] =	stream.indirect.gather [hbm4b:s3+s10], $0x1, s28, s10, $0xb8;
	[tilespmem:$0x3600] =	vst v63  }
0x6d: {  	_ = 	snop  }
0x6e: {  	[tilespmem:s31], [sflag:$0x1] =	stream.indirect.gather [hbm4b:s3+s10], $0x1, s30, s10, $0xb8;
	[tilespmem:$0x3600] =	vst v63  }
0x6f: {  	_ = 	snop  }
0x70: {  	[tilespmem:s1], [sflag:$0x1] =	stream.indirect.gather [hbm4b:s3+s10], $0x1, s0, s10, $0xb8;
	[tilespmem:$0x3600] =	vst v63  }
0x71: {  	_ = 	snop  }
0x72: {  	[tilespmem:s11], [sflag:$0x1] =	stream.indirect.gather [hbm4b:s3+s10], $0x1, s8, s10, $0xb8;
	[tilespmem:$0x3600] =	vst v63  }
0x73: {  	_ = 	snop  }
0x74: {  	[tilespmem:s13], [sflag:$0x1] =	stream.indirect.gather [hbm4b:s3+s10], $0x1, s12, s10, $0xb8;
	[tilespmem:$0x3600] =	vst v63  }
0x75: {  	_ = 	snop  }
0x76: {  	[tilespmem:s15], [sflag:$0x1] =	stream.indirect.gather [hbm4b:s3+s10], $0x1, s14, s10, $0xb8;
	[tilespmem:$0x3600] =	vst v63  }
0x77: {  	_ = 	snop  }
0x78: {  	[tilespmem:s17], [sflag:$0x1] =	stream.indirect.gather [hbm4b:s3+s10], $0x1, s16, s10, $0xb8;
	[tilespmem:$0x3600] =	vst v63  }
0x79: {  	_ = 	snop  }
0x7a: {  	[tilespmem:s19], [sflag:$0x1] =	stream.indirect.gather [hbm4b:s3+s10], $0x1, s18, s10, $0xb8;
	[tilespmem:$0x3600] =	vst v63  }
0x7b: {  	_ =	swait.ge [sflag:s20], $0x1A00  }
0x7c: {  	[sflag:s20] =	ssyncset.done $0x0  }
0x7d: {  	s24 =	simm.s32 $0x0;
	[sflag:s20] =	ssyncadd.s32 $0xFFFFE600  }
0x7e: {  	v0 =	vld [tilespmem:s24+$0x1A00]  }
0x7f: {  	v1 =	vld [tilespmem:s24+$0x1C00];
	_ =	sdelay $0x1  }
0x80: {  	v2 =	vld [tilespmem:s24+$0x1E00];
	_ =	sdelay $0x1  }
0x81: {  	v3 =	vld [tilespmem:s24+$0x2000]  }
0x82: {  	v0 =	vadd.f32 v1, v0  }
0x83: {  	v1 =	vld [tilespmem:s24+$0x2200]  }
0x84: {  	v0 =	vadd.f32 v2, v0  }
0x85: {  	v2 =	vld [tilespmem:s24+$0x2400]  }
0x86: {  	v0 =	vadd.f32 v3, v0  }
0x87: {  	s23 =	simm.s32 $0x10;
	v3 =	vld [tilespmem:s24+$0x2600]  }
0x88: {  	v4 =	vld [tilespmem:s23+$0x1A00];
	v0 =	vadd.f32 v1, v0  }
0x89: {  	v1 =	vld [tilespmem:s24+$0x2800]  }
0x8a: {  	v5 =	vld [tilespmem:s23+$0x1C00];
	v0 =	vadd.f32 v2, v0  }
0x8b: {  	v2 =	vld [tilespmem:s24+$0x2A00]  }
0x8c: {  	v6 =	vld [tilespmem:s23+$0x1E00];
	v0 =	vadd.f32 v3, v0  }
0x8d: {  	v3 =	vld [tilespmem:s24+$0x2C00]  }
0x8e: {  	v7 =	vld [tilespmem:s23+$0x2000];
	v0 =	vadd.f32 v1, v0  }
0x8f: {  	v4 =	vadd.f32 v5, v4;
	v1 =	vld [tilespmem:s24+$0x2E00]  }
0x90: {  	v5 =	vld [tilespmem:s23+$0x2200];
	v0 =	vadd.f32 v2, v0  }
0x91: {  	v8 =	vld [tilespmem:s24+$0x3000];
	v6 =	vadd.f32 v6, v4  }
0x92: {  	v2 =	vld [tilespmem:s23+$0x2400];
	v0 =	vadd.f32 v3, v0  }
0x93: {  	v4 =	vld [tilespmem:s24+$0x3200];
	v6 =	vadd.f32 v7, v6  }
0x94: {  	v3 =	vld [tilespmem:s23+$0x2600];
	v7 =	vadd.f32 v1, v0  }
0x95: {  	s25 =	simm.s32 $0x20;
	v5 =	vadd.f32 v5, v6;
	v0 =	vld [tilespmem:s23+$0x2800]  }
0x96: {  	s26 =	simm.s32 $0xC0;
	v1 =	vld [tilespmem:s25+$0x1A00];
	v6 =	vadd.f32 v8, v7  }
.LBB2_2:
0x97: {  	p0 =	sne.s32 s26, $0x7C0;
	v7 =	vld [tilespmem:s25+$0x1C00];
	v2 =	vadd.f32 v2, v5  }
0x98: {  	v5 =	vld [tilespmem:s23+$0x2A00];
	v4 =	vadd.f32 v4, v6  }
0x99: {  	v6 =	vld [tilespmem:s25+$0x1E00];
	v2 =	vadd.f32 v3, v2  }
0x9a: {  	v3 =	vld [tilespmem:s23+$0x2C00];
	[tilespmem:s24+$0x3400] =	vst v4;
	s24 =	smov.u32 s23;
	s23 =	smov.u32 s25  }
0x9b: {  	v4 =	vld [tilespmem:s23+$0x2000];
	v0 =	vadd.f32 v0, v2  }
0x9c: {  	v1 =	vadd.f32 v7, v1;
	v7 =	vld [tilespmem:s24+$0x2E00]  }
0x9d: {  	v8 =	vld [tilespmem:s23+$0x2200];
	v0 =	vadd.f32 v5, v0  }
0x9e: {  	v1 =	vadd.f32 v6, v1;
	v6 =	vld [tilespmem:s24+$0x3000]  }
.Ltmp0:
0x9f: {  	v2 =	vld [tilespmem:s23+$0x2400];
	v0 =	vadd.f32 v3, v0;
	(pc) =	sbr.rel @p0 .LBB2_2-.Ltmp0, $4  }
0xa0: {  	v1 =	vadd.f32 v4, v1;
	v4 =	vld [tilespmem:s24+$0x3200]  }
0xa1: {  	v3 =	vld [tilespmem:s23+$0x2600];
	v7 =	vadd.f32 v7, v0  }
0xa2: {  	s25 =	sshra.s32 s26, $0x2;
	v5 =	vadd.f32 v8, v1;
	v0 =	vld [tilespmem:s23+$0x2800]  }
0xa3: {  	s26 =	sadd.s32 $0x40, s26;
	v1 =	vld [tilespmem:s25+$0x1A00];
	v6 =	vadd.f32 v6, v7  }
0xa4: {  	v7 =	vld [tilespmem:s25+$0x1C00]  }
0xa5: {  	v8 =	vld [tilespmem:s23+$0x2A00];
	v2 =	vadd.f32 v2, v5;
	v4 =	vadd.f32 v4, v6  }
0xa6: {  	v49 =	vld [tilespmem:s25+$0x1E00]  }
0xa7: {  	v50 =	vld [tilespmem:s23+$0x2C00];
	v2 =	vadd.f32 v3, v2;
	[tilespmem:s24+$0x3400] =	vst v4  }
0xa8: {  	v51 =	vld [tilespmem:s25+$0x2000]  }
0xa9: {  	v0 =	vadd.f32 v0, v2;
	v52 =	vld [tilespmem:s23+$0x2E00];
	v1 =	vadd.f32 v7, v1  }
0xaa: {  	v4 =	vld [tilespmem:s25+$0x2200]  }
0xab: {  	v53 =	vld [tilespmem:s23+$0x3000];
	v0 =	vadd.f32 v8, v0;
	v1 =	vadd.f32 v49, v1  }
0xac: {  	v54 =	vld [tilespmem:s25+$0x2400]  }
0xad: {  	v55 =	vld [tilespmem:s23+$0x3200];
	v0 =	vadd.f32 v50, v0;
	v1 =	vadd.f32 v51, v1  }
0xae: {  	v56 =	vld [tilespmem:s25+$0x2600]  }
0xaf: {  	v0 =	vadd.f32 v52, v0;
	v1 =	vadd.f32 v4, v1  }
0xb0: {  	v57 =	vld [tilespmem:s25+$0x2800]  }
0xb1: {  	v0 =	vadd.f32 v53, v0;
	v1 =	vadd.f32 v54, v1  }
0xb2: {  	v58 =	vld [tilespmem:s25+$0x2A00]  }
0xb3: {  	v0 =	vadd.f32 v55, v0;
	v1 =	vadd.f32 v56, v1  }
0xb4: {  	v59 =	vld [tilespmem:s25+$0x2C00]  }
0xb5: {  	[tilespmem:s23+$0x3400] =	vst v0;
	v60 =	vadd.f32 v57, v1  }
0xb6: {  	v61 =	vld [tilespmem:s25+$0x2E00]  }
0xb7: {  	v0 =	vadd.f32 v58, v60  }
0xb8: {  	v62 =	vld [tilespmem:s25+$0x3000]  }
0xb9: {  	v0 =	vadd.f32 v59, v0  }
0xba: {  	v63 =	vld [tilespmem:s25+$0x3200]  }
0xbb: {  	v0 =	vadd.f32 v61, v0;
	_ =	sdelay $0x1  }
0xbc: {  	v0 =	vadd.f32 v62, v0;
	_ =	sdelay $0x1  }
0xbd: {  	s22 =	sadd.s32 $0x1, s22;
	v0 =	vadd.f32 v63, v0  }
0xbe: {  	p0 =	sne.s32 s22, s6  }
.Ltmp1:
0xbf: {  	[tilespmem:s25+$0x3400] =	vst v0;
	(pc) =	sbr.rel @p0 .LBB2_1-.Ltmp1, $4  }
0xc0: {  	[hbm4b:s5+s2] =	stream.linear.scatter [tilespmem:s21], [sflag:$0x2], $0x200, $0x38;
	[tilespmem:$0x3600] =	vst v63  }
0xc1: {  	_ =	swait.ge [sflag:s9], $0x200  }
0xc2: {  	[sflag:s9] =	ssyncset.done $0x0  }
0xc3: {  	[sflag:s9] =	ssyncadd.s32 $0xFFFFFE00  }
0xc4: {  	_ =	sfence.sel $0x180000  }
0xc5: {  	[bflag:$0x0] =	sbarrier.arrive $0xFFFF  }
0xc6: {  	_ =	strace $0x90000047  }
0xc7: {  	s0 =	stileid.u32;
	[bflag:$0x2] =	sbarrier.arrive $0xFFFF  }
0xc8: {  	p0 =	sne.s32 s0, $0x0;
	s0 =	rddreg [dreg:$0x1]  }
0xc9: {  	s0 =	sadd.s32 @!p0 $0x100000, s0  }
0xca: {  	[sflag:s0] =	ssyncadd.tile.s32 @!p0 $0x1;
	_ =	shalt  }
.Lfunc_end2:
_tile_overlayer_lowered:
.L_overlay_start_2:
0xcb: {  	(tag) =	ssettag $0x2  }
0xcc: {  	s0 =	rddreg [dreg:$0x0];
	s2 =	stileid.u32  }
0xcd: {  	s1 =	rddreg [dreg:$0x1];
	p0 =	sne.s32 s2, $0x0  }
0xce: {  	s3 =	rddreg [dreg:$0x2];
	[bflag:$0x3] =	sbarrier.arrive $0xFFFF;
	s2 =	simm.s32 @!p0 $0x1C02  }
0xcf: {  	[timem:s3], [sflag:s2] =	dma.local @!p0 [hbm:s0], s1  }
0xd0: {  	s0 =	simm.s32 @!p0 $0x2  }
0xd1: {  	_ =	swait.ge @!p0 [sflag:s0], s1  }
0xd2: {  	s1 =	ssub.s32 @!p0 $0x0, s1;
	[sflag:s0] =	ssyncset.done @!p0 $0x0  }
0xd3: {  	[sflag:s0] =	ssyncadd.s32 @!p0 s1  }
0xd4: {  	[bflag:$0x3] =	sbarrier.arrive $0xFFFF  }
0xd5: {  	_ =	shalt  }

// kernel: kernel.9.cloned.1.call-start
scs
__scs_entry_jumppad:
0x0: {  	(pc) =	sbr.rel $0x88, $3  }
0x1: {  	(tag) =	ssettag $0x0;
	lr =	simm.s32 $0x1  }
0x2: {  	[smem:$0x3F9E] =	sst lr;
	_ =	strace $0xD0000000  }
0x3: {  	_ = 	snop  }
0x4: {  	_ = 	snop  }
0x5: {  	_ = 	snop  }
0x6: {  	_ = 	snop  }
0x7: {  	_ = 	snop  }
__scs_overlays_trampoline_lowered:
0x8: {  	[smem:$0x3FAD] =	sst s0  }
0x9: {  	[smem:$0x3FAE] =	sst s1  }
0xa: {  	[smem:$0x3FAF] =	sst s2  }
0xb: {  	[smem:$0x3FB0] =	sst s3  }
0xc: {  	[smem:$0x3FB1] =	sst s4  }
0xd: {  	[smem:$0x3FB2] =	sst s5  }
0xe: {  	[smem:$0x3FB3] =	sst s6  }
0xf: {  	[smem:$0x3FB4] =	sst s7  }
0x10: {  	[smem:$0x3FB5] =	sst s8  }
0x11: {  	[smem:$0x3FB6] =	sst s9;
	s0 =	simm.s32 @!p0 $0x0  }
0x12: {  	s1 =	sld [smem:$0x3F9C];
	s0 =	simm.s32 @p0 $0x1  }
0x13: {  	[smem:$0x3FB7] =	sst s0;
	s0 =	simm.s32 @!p1 $0x0  }
0x14: {  	s2 =	sld [smem:$0x3F9B];
	s0 =	simm.s32 @p1 $0x1  }
0x15: {  	[smem:$0x3FB8] =	sst s0;
	s0 =	simm.s32 @!p2 $0x0  }
0x16: {  	s3 =	sld [smem:$0x3FDB];
	s0 =	simm.s32 @p2 $0x1  }
0x17: {  	s4 =	simm.s32 $0x1BF5;
	[smem:$0x3FBA] =	sst s0  }
0x18: {  	s0 =	sld [smem:$0x3F9D];
	_ =	swait.ge [sflag:s4], $0x0  }
0x19: {  	s7 =	sld [smem:$0x3F9E]  }
0x1a: {  	s8 =	sadd.s32 $0xFFFFE003, lr  }
0x1b: {  	s9 =	sadd.s32 $0xFFFFFEF7, lr;
	s5 =	simm.s32 $0xFFFFFFFF;
	p2 =	slt.u32 s8, $0xFFFFF086  }
0x1c: {  	p1 =	slt.u32 s9, $0xF7A;
	s5 =	simm.s32 @!p2 $0x0  }
0x1d: {  	s5 =	simm.s32 @p1 $0x1;
	p0 =	seq.s32 s7, s2  }
0x1e: {  	s7 =	smul.u32 @!p0 $0xF7A, s2;
	p2 =	seq.s32 @!p0 s5, $0x0  }
0x1f: {  	s9 =	smul.u32 $0xF7A, s1;
	s8 =	simm.s32 @!p0 $0x1BF5;
	p2 =	por !p2, p0  }
0x20: {  	[sflag:s8] =	ssyncset.s32 @!p0 $0xFFFFF086;
	s6 =	sadd.s32 @!p0 s3, s7;
	s7 =	simm.s32 @!p0 $0x108  }
0x21: {  	s3 =	sadd.s32 s3, s9;
	s6 =	sadd.s32 @!p0 $0x88, s6;
	s7 =	simm.s32 @p2 $0x1082  }
0x22: {  	[simem:s7], [sflag:s8] =	dma.local @!p0 [hbm:s6], $0xF7A  }
0x23: {  	s9 =	sor.u32 $0xD0000000, s2;
	s6 =	simm.s32 $0x108;
	_ =	swait.ge @!p0 [sflag:s8], $0x0  }
0x24: {  	s3 =	sadd.s32 $0x88, s3;
	s6 =	simm.s32 @!p1 $0x1082;
	[sflag:s4] =	ssyncset.s32 $0xFFFFF086  }
0x25: {  	[simem:s6], [sflag:s4] =	dma.local [hbm:s3], $0xF7A  }
0x26: {  	[smem:$0x3F9E] =	sst s1;
	(tag) =	ssettag s2;
	_ =	strace s9  }
0x27: {  	s1 =	sld [smem:$0x3FAE]  }
0x28: {  	s2 =	sld [smem:$0x3FAF]  }
0x29: {  	s4 =	sld [smem:$0x3FB1]  }
0x2a: {  	p0 =	seq.s32 s5, $0x0;
	s5 =	sld [smem:$0x3FB2]  }
0x2b: {  	s6 =	sld [smem:$0x3FB3]  }
0x2c: {  	s7 =	sld [smem:$0x3FB4]  }
0x2d: {  	s3 =	simm.s32 $0x108;
	s8 =	sld [smem:$0x3FB5]  }
0x2e: {  	s3 =	simm.s32 @!p0 $0x1082;
	s9 =	sld [smem:$0x3FB6]  }
0x2f: {  	lr =	sadd.s32 s0, s3;
	s0 =	sld [smem:$0x3FAD]  }
0x30: {  	s3 =	sld [smem:$0x3FB0]  }
0x31: {  	[smem:$0x3FB9] =	sst s10  }
0x32: {  	s10 =	sld [smem:$0x3FB7];
	_ =	sdelay $0x3  }
0x33: {  	p0 =	seq.s32 s10, $0x1;
	s10 =	sld [smem:$0x3FB9];
	_ =	sdelay $0x3  }
0x34: {  	[smem:$0x3FB9] =	sst s10  }
0x35: {  	s10 =	sld [smem:$0x3FB8];
	_ =	sdelay $0x3  }
0x36: {  	p1 =	seq.s32 s10, $0x1;
	s10 =	sld [smem:$0x3FB9];
	_ =	sdelay $0x3  }
0x37: {  	[smem:$0x3FB9] =	sst s10  }
0x38: {  	s10 =	sld [smem:$0x3FBA]  }
0x39: {  	_ = 	snop;
	(pc) =	sbr.ind lr, $3  }
0x3a: {  	_ = 	snop  }
0x3b: {  	_ = 	snop  }
0x3c: {  	p2 =	seq.s32 s10, $0x1;
	s10 =	sld [smem:$0x3FB9]  }
0x3d: {  	_ =	shalt  }
0x3e: {  	_ =	shalt  }
0x3f: {  	_ =	shalt  }
0x40: {  	_ =	shalt  }
0x41: {  	_ =	shalt  }
0x42: {  	_ =	shalt  }
0x43: {  	_ =	shalt  }
0x44: {  	_ =	shalt  }
0x45: {  	_ =	shalt  }
0x46: {  	_ =	shalt  }
0x47: {  	_ =	shalt  }
0x48: {  	_ =	shalt  }
0x49: {  	_ =	shalt  }
0x4a: {  	_ =	shalt  }
0x4b: {  	_ =	shalt  }
0x4c: {  	_ =	shalt  }
0x4d: {  	_ =	shalt  }
0x4e: {  	_ =	shalt  }
0x4f: {  	_ =	shalt  }
0x50: {  	_ =	shalt  }
0x51: {  	_ =	shalt  }
0x52: {  	_ =	shalt  }
0x53: {  	_ =	shalt  }
0x54: {  	_ =	shalt  }
0x55: {  	_ =	shalt  }
0x56: {  	_ =	shalt  }
0x57: {  	_ =	shalt  }
0x58: {  	_ =	shalt  }
0x59: {  	_ =	shalt  }
0x5a: {  	_ =	shalt  }
0x5b: {  	_ =	shalt  }
0x5c: {  	_ =	shalt  }
0x5d: {  	_ =	shalt  }
0x5e: {  	_ =	shalt  }
0x5f: {  	_ =	shalt  }
0x60: {  	_ =	shalt  }
0x61: {  	_ =	shalt  }
0x62: {  	_ =	shalt  }
0x63: {  	_ =	shalt  }
0x64: {  	_ =	shalt  }
0x65: {  	_ =	shalt  }
0x66: {  	_ =	shalt  }
0x67: {  	_ =	shalt  }
0x68: {  	_ =	shalt  }
0x69: {  	_ =	shalt  }
0x6a: {  	_ =	shalt  }
0x6b: {  	_ =	shalt  }
0x6c: {  	_ =	shalt  }
0x6d: {  	_ =	shalt  }
0x6e: {  	_ =	shalt  }
0x6f: {  	_ =	shalt  }
0x70: {  	_ =	shalt  }
0x71: {  	_ =	shalt  }
0x72: {  	_ =	shalt  }
0x73: {  	_ =	shalt  }
0x74: {  	_ =	shalt  }
0x75: {  	_ =	shalt  }
0x76: {  	_ =	shalt  }
0x77: {  	_ =	shalt  }
0x78: {  	_ =	shalt  }
0x79: {  	_ =	shalt  }
0x7a: {  	_ =	shalt  }
0x7b: {  	_ =	shalt  }
0x7c: {  	_ =	shalt  }
0x7d: {  	_ =	shalt  }
0x7e: {  	_ =	shalt  }
0x7f: {  	_ =	shalt  }
0x80: {  	_ =	shalt  }
0x81: {  	_ =	shalt  }
0x82: {  	_ =	shalt  }
0x83: {  	_ =	shalt  }
0x84: {  	_ =	shalt  }
0x85: {  	_ =	shalt  }
0x86: {  	_ =	shalt  }
0x87: {  	_ =	shalt  }
.Lfunc_end0:
.L_simem_size_0:
called_computation.1_lowered:
.L_overlay_start_0:
0x88: {  	s2 =	sld [smem:$0x3FD9]  }
0x89: {  	s3 =	sld [smem:$0x3FFE];
	_ =	sdelay $0x1  }
0x8a: {  	s1 =	srdreg.scid  }
0x8b: {  	s0 =	sand.u32 $0x1, s1  }
0x8c: {  	s17 =	sshll.u32 s0, $0xA;
	s2 =	sadd.s32 s3, s2  }
0x8d: {  	s2 =	sadd.s32 s2, s17  }
0x8e: {  	[smem:$0x3FC5] =	sst s2  }
0x8f: {  	_ = 	snop  }
0x90: {  	s2 =	sld [smem:$0x3FD0];
	(tm) =	ssettm $0x1  }
0x91: {  	s18 =	sld [smem:$0x3FFB];
	_ =	sdelay $0x3  }
0x92: {  	_ =	strace s18  }
0x93: {  	s3 =	sld [smem:$0x3FFC];
	_ =	sdelay $0x3  }
0x94: {  	_ =	strace s3  }
0x95: {  	s3 =	sld [smem:$0x3FFD];
	_ =	sdelay $0x3  }
0x96: {  	_ =	strace s3  }
0x97: {  	_ =	strace $0x8FFFFFFF  }
0x98: {  	s19 =	sld [smem:$0x3FDB];
	_ =	sdelay $0x1  }
0x99: {  	s4 =	simm.s32 $_scs_section_size  }
0x9a: {  	s5 =	simm.s32 $_size__tile_overlayer_lowered;
	s6 =	simm.s32 $_tile_overlayer_lowered  }
0x9b: {  	s22 =	simm.s32 $0x1BFF;
	s21 =	sshll.u32 s6, $0x1;
	s3 =	sadd.s32 s4, s19  }
0x9c: {  	s7 =	simm.s32 $0x0;
	s20 =	sshll.u32 s5, $0x1;
	s5 =	sadd.s32 s21, s3  }
0x9d: {  	[timem:s7], [sflag:s22] =	dma.local [hbm:s5], s20  }
0x9e: {  	_ =	swait.ge [sflag:s22], s20  }
0x9f: {  	s4 =	ssub.s32 $0x0, s20;
	[sflag:s22] =	ssyncset.done $0x0  }
0xa0: {  	[sflag:s22] =	ssyncadd.s32 s4;
	_ =	sdelay $0x1  }
0xa1: {  	s23 =	simm.s32 $0x1B8B  }
0xa2: {  	_ =	swait.ge [sflag:s23], $0x1  }
0xa3: {  	[sflag:s23] =	ssyncset.done $0x0  }
0xa4: {  	s25 =	simm.s32 $0x1B8E;
	s24 =	sld [smem:$0x3FFE];
	[sflag:s23] =	ssyncadd.s32 $0xFFFFFFFF  }
0xa5: {  	s26 =	simm.s32 $execute0_lowered;
	[smem:$0x3FD2] =	sst s25  }
0xa6: {  	s5 =	sshll.u32 s26, $0x1;
	_ =	strace $0x80000049;
	[dreg:$0x1] =	wrdreg $0xFFFFFFFF  }
0xa7: {  	s28 =	simm.s32 $_size_execute0_lowered;
	s3 =	sadd.s32 s3, s5;
	[dreg:$0x0] =	wrdreg $0x0  }
0xa8: {  	s5 =	sshll.u32 s28, $0x1;
	[dreg:$0x2] =	wrdreg s3  }
0xa9: {  	[dreg:$0x3] =	wrdreg s5  }
0xaa: {  	[dreg:$0x4] =	wrdreg $0xC0  }
0xab: {  	_ =	task [dreg:s7], $0x5FFFF  }
0xac: {  	[dreg:$0x1] =	wrdreg $0xFFFFFFFF  }
0xad: {  	[dreg:$0x0] =	wrdreg $0x60  }
0xae: {  	[dreg:$0x2] =	wrdreg s24  }
0xaf: {  	[dreg:$0x3] =	wrdreg s2  }
0xb0: {  	[dreg:$0x4] =	wrdreg $0x9  }
0xb1: {  	_ =	task.clear_ibuf [dreg:s7], $0x5FFFF;
	_ =	strace $0x90000049  }
0xb2: {  	s29 =	simm.s32 $0x9;
	_ =	strace $0x8000004B  }
0xb3: {  	_ =	swait.ge [sflag:s29], $0x1  }
0xb4: {  	[sflag:s29] =	ssyncadd.s32 $0xFFFFFFFF  }
0xb5: {  	_ =	strace $0x9000004B  }
0xb6: {  	_ =	sfence  }
0xb7: {  	s30 =	sld [smem:$0x0];
	_ =	sdelay $0x2  }
0xb8: {  	s31 =	sshll.u32 s1, $0xD;
	s1 =	sshrl.u32 s1, $0x2  }
0xb9: {  	s3 =	sand.u32 $0x4000, s31;
	s1 =	sadd.s32 s1, s30  }
0xba: {  	s0 =	sor.u32 s3, s0;
	s1 =	sshll.u32 s1, $0x11  }
0xbb: {  	s0 =	sor.u32 s1, s0  }
0xbc: {  	s0 =	sadd.s32 $0x8F2B, s0  }
0xbd: {  	[sflag:s0] =	ssyncadd.remote.s32 $0x1  }
0xbe: {  	_ =	sfence.sel $0xFFFF  }
0xbf: {  	[dreg:$0x0] =	wrdreg $0xFFFFFFFF;
	(pc) =	sbr.abs _section_cstart, $3  }
0xc0: {  	[dreg:$0x1] =	wrdreg $0xFFFFFFFF  }
0xc1: {  	_ =	task.clear_ibuf [dreg:s7], $0x2FFFF;
	_ =	strace $0x9FFFFFFF  }
0xc2: {  	(tm) =	ssettm $0x7FFFFFFF  }
0xc3: {  	_ =	shalt  }
tec
execute0_lowered:
.L_overlay_start_1:
0x0: {  	(tag) =	ssettag $0x1  }
0x1: {  	s0 =	rddreg [dreg:$0x0]  }
0x2: {  	s1 =	rddreg [dreg:$0x1];
	s3 =	srdreg.scid  }
0x3: {  	s2 =	simm.s32 $0x0;
	s4 =	stileid.u32;
	s8 =	simm.s32 $0x200  }
0x4: {  	s10 =	simm.s32 $0x2;
	s12 =	simm.s32 $0x80;
	s13 =	simm.s32 $0x3080  }
0x5: {  	s14 =	simm.s32 $0x1700;
	s15 =	simm.s32 $0x3100;
	s16 =	simm.s32 $0x1780  }
0x6: {  	s17 =	simm.s32 $0x3180;
	s18 =	simm.s32 $0x1800;
	s19 =	simm.s32 $0x3200  }
0x7: {  	s20 =	simm.s32 $0x1880;
	s21 =	simm.s32 $0x3280;
	s22 =	simm.s32 $0x1900  }
0x8: {  	s23 =	simm.s32 $0x3300;
	s24 =	simm.s32 $0x1980;
	s25 =	simm.s32 $0x3380  }
0x9: {  	s26 =	simm.s32 $0x1;
	s28 =	simm.s32 $0x3400;
	s29 =	simm.s32 $0x0  }
0xa: {  	s3 =	sand.u32 $0x1, s3;
	[smem:$0x7FF] =	sst s2;
	s4 =	sshll.u32 s4, $0x7  }
0xb: {  	s5 =	sshll.u32 s3, $0x6;
	_ =	strace $0x8000004A;
	s30 =	ssub.s32 $0x2, s3  }
0xc: {  	s3 =	sadd.s32 $0x35E00, s0;
	s6 =	sor.u32 s5, s4;
	s31 =	sshrl.u32 s30, $0x1  }
0xd: {  	s0 =	sadd.s32 s6, s0;
	s7 =	ssub.s32 s30, s31;
	s6 =	sadd.s32 s1, s6  }
0xe: {  	s4 =	sadd.s32 $0x7000, s0;
	s5 =	sadd.s32 $0x35600, s0;
	s7 =	smax.u32 s7, $0x1  }
.LBB2_1:
0xf: {  	s0 =	simm.s32 $0x4000  }
0x10: {  	[tilespmem:s2], [sflag:$0x2] =	stream.strided.gather [hbm4b:s4+s8], $0x1A00, s0, s8, $0x38;
	[tilespmem:$0x3800] =	vst v63  }
0x11: {  	_ =	swait.ge [sflag:s10], $0x1A00  }
0x12: {  	[sflag:s10] =	ssyncset.done $0x0  }
0x13: {  	s11 =	simm.s32 $0x3600;
	[sflag:s10] =	ssyncadd.s32 $0xFFFFE600  }
0x14: {  	[tilespmem:s11], [sflag:$0x2] =	stream.linear.gather [hbm4b:s5+s2], $0x200, $0x38;
	[tilespmem:$0x3800] =	vst v63  }
0x15: {  	_ =	swait.ge [sflag:s10], $0x200  }
0x16: {  	[sflag:s10] =	ssyncset.done $0x0  }
0x17: {  	s1 =	simm.s32 $0x1A00;
	[sflag:s10] =	ssyncadd.s32 $0xFFFFFE00  }
0x18: {  	[tilespmem:s1], [sflag:$0x1] =	stream.indirect.gather [hbm4b:s3+s12], $0x1, s2, s12, $0xb8;
	[tilespmem:$0x3800] =	vst v63  }
0x19: {  	s9 =	simm.s32 $0x1A80  }
0x1a: {  	[tilespmem:s9], [sflag:$0x1] =	stream.indirect.gather [hbm4b:s3+s12], $0x1, s12, s12, $0xb8;
	[tilespmem:$0x3800] =	vst v63  }
0x1b: {  	s11 =	simm.s32 $0x100;
	s1 =	simm.s32 $0x1B00  }
0x1c: {  	[tilespmem:s1], [sflag:$0x1] =	stream.indirect.gather [hbm4b:s3+s12], $0x1, s11, s12, $0xb8;
	[tilespmem:$0x3800] =	vst v63  }
0x1d: {  	s9 =	simm.s32 $0x180;
	s11 =	simm.s32 $0x1B80  }
0x1e: {  	[tilespmem:s11], [sflag:$0x1] =	stream.indirect.gather [hbm4b:s3+s12], $0x1, s9, s12, $0xb8;
	[tilespmem:$0x3800] =	vst v63  }
0x1f: {  	s1 =	simm.s32 $0x1C00  }
0x20: {  	[tilespmem:s1], [sflag:$0x1] =	stream.indirect.gather [hbm4b:s3+s12], $0x1, s8, s12, $0xb8;
	[tilespmem:$0x3800] =	vst v63  }
0x21: {  	s9 =	simm.s32 $0x280;
	s11 =	simm.s32 $0x1C80  }
0x22: {  	[tilespmem:s11], [sflag:$0x1] =	stream.indirect.gather [hbm4b:s3+s12], $0x1, s9, s12, $0xb8;
	[tilespmem:$0x3800] =	vst v63  }
0x23: {  	s9 =	simm.s32 $0x300;
	s11 =	simm.s32 $0x1D00  }
0x24: {  	[tilespmem:s11], [sflag:$0x1] =	stream.indirect.gather [hbm4b:s3+s12], $0x1, s9, s12, $0xb8;
	[tilespmem:$0x3800] =	vst v63  }
0x25: {  	s9 =	simm.s32 $0x380;
	s11 =	simm.s32 $0x1D80  }
0x26: {  	[tilespmem:s11], [sflag:$0x1] =	stream.indirect.gather [hbm4b:s3+s12], $0x1, s9, s12, $0xb8;
	[tilespmem:$0x3800] =	vst v63  }
0x27: {  	s9 =	simm.s32 $0x400;
	s11 =	simm.s32 $0x1E00  }
0x28: {  	[tilespmem:s11], [sflag:$0x1] =	stream.indirect.gather [hbm4b:s3+s12], $0x1, s9, s12, $0xb8;
	[tilespmem:$0x3800] =	vst v63  }
0x29: {  	s9 =	simm.s32 $0x480;
	s11 =	simm.s32 $0x1E80  }
0x2a: {  	[tilespmem:s11], [sflag:$0x1] =	stream.indirect.gather [hbm4b:s3+s12], $0x1, s9, s12, $0xb8;
	[tilespmem:$0x3800] =	vst v63  }
0x2b: {  	s9 =	simm.s32 $0x500;
	s11 =	simm.s32 $0x1F00  }
0x2c: {  	[tilespmem:s11], [sflag:$0x1] =	stream.indirect.gather [hbm4b:s3+s12], $0x1, s9, s12, $0xb8;
	[tilespmem:$0x3800] =	vst v63  }
0x2d: {  	s9 =	simm.s32 $0x580;
	s11 =	simm.s32 $0x1F80  }
0x2e: {  	[tilespmem:s11], [sflag:$0x1] =	stream.indirect.gather [hbm4b:s3+s12], $0x1, s9, s12, $0xb8;
	[tilespmem:$0x3800] =	vst v63  }
0x2f: {  	s9 =	simm.s32 $0x600;
	s11 =	simm.s32 $0x2000  }
0x30: {  	[tilespmem:s11], [sflag:$0x1] =	stream.indirect.gather [hbm4b:s3+s12], $0x1, s9, s12, $0xb8;
	[tilespmem:$0x3800] =	vst v63  }
0x31: {  	s9 =	simm.s32 $0x680;
	s11 =	simm.s32 $0x2080  }
0x32: {  	[tilespmem:s11], [sflag:$0x1] =	stream.indirect.gather [hbm4b:s3+s12], $0x1, s9, s12, $0xb8;
	[tilespmem:$0x3800] =	vst v63  }
0x33: {  	s9 =	simm.s32 $0x700;
	s11 =	simm.s32 $0x2100  }
0x34: {  	[tilespmem:s11], [sflag:$0x1] =	stream.indirect.gather [hbm4b:s3+s12], $0x1, s9, s12, $0xb8;
	[tilespmem:$0x3800] =	vst v63  }
0x35: {  	s9 =	simm.s32 $0x780;
	s11 =	simm.s32 $0x2180  }
0x36: {  	[tilespmem:s11], [sflag:$0x1] =	stream.indirect.gather [hbm4b:s3+s12], $0x1, s9, s12, $0xb8;
	[tilespmem:$0x3800] =	vst v63  }
0x37: {  	s9 =	simm.s32 $0x800;
	s11 =	simm.s32 $0x2200  }
0x38: {  	[tilespmem:s11], [sflag:$0x1] =	stream.indirect.gather [hbm4b:s3+s12], $0x1, s9, s12, $0xb8;
	[tilespmem:$0x3800] =	vst v63  }
0x39: {  	s9 =	simm.s32 $0x880;
	s11 =	simm.s32 $0x2280  }
0x3a: {  	[tilespmem:s11], [sflag:$0x1] =	stream.indirect.gather [hbm4b:s3+s12], $0x1, s9, s12, $0xb8;
	[tilespmem:$0x3800] =	vst v63  }
0x3b: {  	s9 =	simm.s32 $0x900;
	s11 =	simm.s32 $0x2300  }
0x3c: {  	[tilespmem:s11], [sflag:$0x1] =	stream.indirect.gather [hbm4b:s3+s12], $0x1, s9, s12, $0xb8;
	[tilespmem:$0x3800] =	vst v63  }
0x3d: {  	s9 =	simm.s32 $0x980;
	s11 =	simm.s32 $0x2380  }
0x3e: {  	[tilespmem:s11], [sflag:$0x1] =	stream.indirect.gather [hbm4b:s3+s12], $0x1, s9, s12, $0xb8;
	[tilespmem:$0x3800] =	vst v63  }
0x3f: {  	s9 =	simm.s32 $0xA00;
	s11 =	simm.s32 $0x2400  }
0x40: {  	[tilespmem:s11], [sflag:$0x1] =	stream.indirect.gather [hbm4b:s3+s12], $0x1, s9, s12, $0xb8;
	[tilespmem:$0x3800] =	vst v63  }
0x41: {  	s9 =	simm.s32 $0xA80;
	s11 =	simm.s32 $0x2480  }
0x42: {  	[tilespmem:s11], [sflag:$0x1] =	stream.indirect.gather [hbm4b:s3+s12], $0x1, s9, s12, $0xb8;
	[tilespmem:$0x3800] =	vst v63  }
0x43: {  	s9 =	simm.s32 $0xB00;
	s11 =	simm.s32 $0x2500  }
0x44: {  	[tilespmem:s11], [sflag:$0x1] =	stream.indirect.gather [hbm4b:s3+s12], $0x1, s9, s12, $0xb8;
	[tilespmem:$0x3800] =	vst v63  }
0x45: {  	s9 =	simm.s32 $0xB80;
	s11 =	simm.s32 $0x2580  }
0x46: {  	[tilespmem:s11], [sflag:$0x1] =	stream.indirect.gather [hbm4b:s3+s12], $0x1, s9, s12, $0xb8;
	[tilespmem:$0x3800] =	vst v63  }
0x47: {  	s9 =	simm.s32 $0xC00;
	s11 =	simm.s32 $0x2600  }
0x48: {  	[tilespmem:s11], [sflag:$0x1] =	stream.indirect.gather [hbm4b:s3+s12], $0x1, s9, s12, $0xb8;
	[tilespmem:$0x3800] =	vst v63  }
0x49: {  	s9 =	simm.s32 $0xC80;
	s11 =	simm.s32 $0x2680  }
0x4a: {  	[tilespmem:s11], [sflag:$0x1] =	stream.indirect.gather [hbm4b:s3+s12], $0x1, s9, s12, $0xb8;
	[tilespmem:$0x3800] =	vst v63  }
0x4b: {  	s9 =	simm.s32 $0xD00;
	s11 =	simm.s32 $0x2700  }
0x4c: {  	[tilespmem:s11], [sflag:$0x1] =	stream.indirect.gather [hbm4b:s3+s12], $0x1, s9, s12, $0xb8;
	[tilespmem:$0x3800] =	vst v63  }
0x4d: {  	s9 =	simm.s32 $0xD80;
	s11 =	simm.s32 $0x2780  }
0x4e: {  	[tilespmem:s11], [sflag:$0x1] =	stream.indirect.gather [hbm4b:s3+s12], $0x1, s9, s12, $0xb8;
	[tilespmem:$0x3800] =	vst v63  }
0x4f: {  	s9 =	simm.s32 $0xE00;
	s11 =	simm.s32 $0x2800  }
0x50: {  	[tilespmem:s11], [sflag:$0x1] =	stream.indirect.gather [hbm4b:s3+s12], $0x1, s9, s12, $0xb8;
	[tilespmem:$0x3800] =	vst v63  }
0x51: {  	s9 =	simm.s32 $0xE80;
	s11 =	simm.s32 $0x2880  }
0x52: {  	[tilespmem:s11], [sflag:$0x1] =	stream.indirect.gather [hbm4b:s3+s12], $0x1, s9, s12, $0xb8;
	[tilespmem:$0x3800] =	vst v63  }
0x53: {  	s9 =	simm.s32 $0xF00;
	s11 =	simm.s32 $0x2900  }
0x54: {  	[tilespmem:s11], [sflag:$0x1] =	stream.indirect.gather [hbm4b:s3+s12], $0x1, s9, s12, $0xb8;
	[tilespmem:$0x3800] =	vst v63  }
0x55: {  	s9 =	simm.s32 $0xF80;
	s11 =	simm.s32 $0x2980  }
0x56: {  	[tilespmem:s11], [sflag:$0x1] =	stream.indirect.gather [hbm4b:s3+s12], $0x1, s9, s12, $0xb8;
	[tilespmem:$0x3800] =	vst v63  }
0x57: {  	s9 =	simm.s32 $0x1000;
	s11 =	simm.s32 $0x2A00  }
0x58: {  	[tilespmem:s11], [sflag:$0x1] =	stream.indirect.gather [hbm4b:s3+s12], $0x1, s9, s12, $0xb8;
	[tilespmem:$0x3800] =	vst v63  }
0x59: {  	s9 =	simm.s32 $0x1080;
	s11 =	simm.s32 $0x2A80  }
0x5a: {  	[tilespmem:s11], [sflag:$0x1] =	stream.indirect.gather [hbm4b:s3+s12], $0x1, s9, s12, $0xb8;
	[tilespmem:$0x3800] =	vst v63  }
0x5b: {  	s9 =	simm.s32 $0x1100;
	s11 =	simm.s32 $0x2B00  }
0x5c: {  	[tilespmem:s11], [sflag:$0x1] =	stream.indirect.gather [hbm4b:s3+s12], $0x1, s9, s12, $0xb8;
	[tilespmem:$0x3800] =	vst v63  }
0x5d: {  	s9 =	simm.s32 $0x1180;
	s11 =	simm.s32 $0x2B80  }
0x5e: {  	[tilespmem:s11], [sflag:$0x1] =	stream.indirect.gather [hbm4b:s3+s12], $0x1, s9, s12, $0xb8;
	[tilespmem:$0x3800] =	vst v63  }
0x5f: {  	s9 =	simm.s32 $0x1200;
	s11 =	simm.s32 $0x2C00  }
0x60: {  	[tilespmem:s11], [sflag:$0x1] =	stream.indirect.gather [hbm4b:s3+s12], $0x1, s9, s12, $0xb8;
	[tilespmem:$0x3800] =	vst v63  }
0x61: {  	s9 =	simm.s32 $0x1280;
	s11 =	simm.s32 $0x2C80  }
0x62: {  	[tilespmem:s11], [sflag:$0x1] =	stream.indirect.gather [hbm4b:s3+s12], $0x1, s9, s12, $0xb8;
	[tilespmem:$0x3800] =	vst v63  }
0x63: {  	s9 =	simm.s32 $0x1300;
	s11 =	simm.s32 $0x2D00  }
0x64: {  	[tilespmem:s11], [sflag:$0x1] =	stream.indirect.gather [hbm4b:s3+s12], $0x1, s9, s12, $0xb8;
	[tilespmem:$0x3800] =	vst v63  }
0x65: {  	s9 =	simm.s32 $0x1380;
	s11 =	simm.s32 $0x2D80  }
0x66: {  	[tilespmem:s11], [sflag:$0x1] =	stream.indirect.gather [hbm4b:s3+s12], $0x1, s9, s12, $0xb8;
	[tilespmem:$0x3800] =	vst v63  }
0x67: {  	s9 =	simm.s32 $0x1400;
	s11 =	simm.s32 $0x2E00  }
0x68: {  	[tilespmem:s11], [sflag:$0x1] =	stream.indirect.gather [hbm4b:s3+s12], $0x1, s9, s12, $0xb8;
	[tilespmem:$0x3800] =	vst v63  }
0x69: {  	s9 =	simm.s32 $0x1480;
	s11 =	simm.s32 $0x2E80  }
0x6a: {  	[tilespmem:s11], [sflag:$0x1] =	stream.indirect.gather [hbm4b:s3+s12], $0x1, s9, s12, $0xb8;
	[tilespmem:$0x3800] =	vst v63  }
0x6b: {  	s9 =	simm.s32 $0x1500;
	s11 =	simm.s32 $0x2F00  }
0x6c: {  	[tilespmem:s11], [sflag:$0x1] =	stream.indirect.gather [hbm4b:s3+s12], $0x1, s9, s12, $0xb8;
	[tilespmem:$0x3800] =	vst v63  }
0x6d: {  	s9 =	simm.s32 $0x1580;
	s11 =	simm.s32 $0x2F80  }
0x6e: {  	[tilespmem:s11], [sflag:$0x1] =	stream.indirect.gather [hbm4b:s3+s12], $0x1, s9, s12, $0xb8;
	[tilespmem:$0x3800] =	vst v63  }
0x6f: {  	s1 =	simm.s32 $0x1600;
	s9 =	simm.s32 $0x3000  }
0x70: {  	[tilespmem:s9], [sflag:$0x1] =	stream.indirect.gather [hbm4b:s3+s12], $0x1, s1, s12, $0xb8;
	[tilespmem:$0x3800] =	vst v63  }
0x71: {  	s11 =	simm.s32 $0x1680  }
0x72: {  	[tilespmem:s13], [sflag:$0x1] =	stream.indirect.gather [hbm4b:s3+s12], $0x1, s11, s12, $0xb8;
	[tilespmem:$0x3800] =	vst v63  }
0x73: {  	_ = 	snop  }
0x74: {  	[tilespmem:s15], [sflag:$0x1] =	stream.indirect.gather [hbm4b:s3+s12], $0x1, s14, s12, $0xb8;
	[tilespmem:$0x3800] =	vst v63  }
0x75: {  	_ = 	snop  }
0x76: {  	[tilespmem:s17], [sflag:$0x1] =	stream.indirect.gather [hbm4b:s3+s12], $0x1, s16, s12, $0xb8;
	[tilespmem:$0x3800] =	vst v63  }
0x77: {  	_ = 	snop  }
0x78: {  	[tilespmem:s19], [sflag:$0x1] =	stream.indirect.gather [hbm4b:s3+s12], $0x1, s18, s12, $0xb8;
	[tilespmem:$0x3800] =	vst v63  }
0x79: {  	_ = 	snop  }
0x7a: {  	[tilespmem:s21], [sflag:$0x1] =	stream.indirect.gather [hbm4b:s3+s12], $0x1, s20, s12, $0xb8;
	[tilespmem:$0x3800] =	vst v63  }
0x7b: {  	_ = 	snop  }
0x7c: {  	[tilespmem:s23], [sflag:$0x1] =	stream.indirect.gather [hbm4b:s3+s12], $0x1, s22, s12, $0xb8;
	[tilespmem:$0x3800] =	vst v63  }
0x7d: {  	_ = 	snop  }
0x7e: {  	[tilespmem:s25], [sflag:$0x1] =	stream.indirect.gather [hbm4b:s3+s12], $0x1, s24, s12, $0xb8;
	[tilespmem:$0x3800] =	vst v63  }
0x7f: {  	_ =	swait.ge [sflag:s26], $0x1A00  }
0x80: {  	[sflag:s26] =	ssyncset.done $0x0  }
0x81: {  	s0 =	simm.s32 $0x0;
	[sflag:s26] =	ssyncadd.s32 $0xFFFFE600  }
0x82: {  	v0 =	vld [tilespmem:s0+$0x1A00]  }
0x83: {  	v1 =	vld [tilespmem:s0+$0x1C00];
	_ =	sdelay $0x1  }
0x84: {  	v2 =	vld [tilespmem:s0+$0x1E00];
	_ =	sdelay $0x1  }
0x85: {  	v3 =	vld [tilespmem:s0+$0x2000]  }
0x86: {  	v0 =	vadd.f32 v1, v0  }
0x87: {  	v4 =	vld [tilespmem:s0+$0x2200]  }
0x88: {  	v5 =	vld [tilespmem:s0+$0x2400];
	v0 =	vadd.f32 v2, v0  }
0x89: {  	v6 =	vld [tilespmem:s0+$0x2600]  }
0x8a: {  	s31 =	simm.s32 $0x10;
	v7 =	vld [tilespmem:s0+$0x2800];
	v0 =	vadd.f32 v3, v0  }
0x8b: {  	v8 =	vld [tilespmem:s31+$0x1C00]  }
0x8c: {  	v9 =	vld [tilespmem:s31+$0x1E00];
	v0 =	vadd.f32 v4, v0  }
0x8d: {  	v10 =	vld [tilespmem:s31+$0x2000]  }
0x8e: {  	v1 =	vld [tilespmem:s31+$0x1A00];
	v0 =	vadd.f32 v5, v0  }
0x8f: {  	v2 =	vld [tilespmem:s0+$0x2A00]  }
0x90: {  	v11 =	vld [tilespmem:s31+$0x2200];
	v0 =	vadd.f32 v6, v0  }
0x91: {  	v3 =	vld [tilespmem:s0+$0x2C00]  }
0x92: {  	v12 =	vld [tilespmem:s31+$0x2400];
	v0 =	vadd.f32 v7, v0  }
0x93: {  	v4 =	vld [tilespmem:s0+$0x2E00]  }
0x94: {  	v13 =	vld [tilespmem:s31+$0x2600];
	v1 =	vadd.f32 v8, v1;
	v0 =	vadd.f32 v2, v0  }
0x95: {  	s30 =	simm.s32 $0x20;
	v5 =	vld [tilespmem:s0+$0x3000]  }
0x96: {  	v54 =	vld [tilespmem:s30+$0x1C00];
	v1 =	vadd.f32 v9, v1;
	v0 =	vadd.f32 v3, v0  }
0x97: {  	v6 =	vld [tilespmem:s0+$0x3200]  }
0x98: {  	v1 =	vadd.f32 v10, v1;
	v2 =	vld [tilespmem:s30+$0x1A00];
	v0 =	vadd.f32 v4, v0  }
0x99: {  	v7 =	vld [tilespmem:s0+$0x3600]  }
0x9a: {  	v55 =	vld [tilespmem:s30+$0x1E00];
	v1 =	vadd.f32 v11, v1;
	v0 =	vadd.f32 v5, v0  }
0x9b: {  	v8 =	vld [tilespmem:s31+$0x2800]  }
0x9c: {  	v56 =	vld [tilespmem:s30+$0x2000];
	v1 =	vadd.f32 v12, v1;
	v0 =	vadd.f32 v6, v0  }
0x9d: {  	v3 =	vld [tilespmem:s31+$0x2A00];
	v2 =	vadd.f32 v54, v2  }
0x9e: {  	v57 =	vld [tilespmem:s30+$0x2200];
	v1 =	vadd.f32 v13, v1;
	v0 =	vadd.f32 v7, v0  }
0x9f: {  	v4 =	vld [tilespmem:s31+$0x2C00];
	v2 =	vadd.f32 v55, v2  }
0xa0: {  	v58 =	vld [tilespmem:s30+$0x2400];
	v1 =	vadd.f32 v8, v1;
	v0 =	vsub.f32 $0.0e+00, v0  }
0xa1: {  	v5 =	vld [tilespmem:s31+$0x2E00];
	v2 =	vadd.f32 v56, v2  }
0xa2: {  	v8 =	vld [tilespmem:s30+$0x2600];
	v1 =	vadd.f32 v3, v1;
	v0 =	vmul.f32 $1.442695020e+00, v0  }
0xa3: {  	v6 =	vld [tilespmem:s31+$0x3000];
	v2 =	vadd.f32 v57, v2  }
0xa4: {  	v59 =	vld [tilespmem:s30+$0x2800];
	v1 =	vadd.f32 v4, v1;
	(erf) = vpow2.f32 v0  }
0xa5: {  	v7 =	vld [tilespmem:s31+$0x3200];
	v2 =	vadd.f32 v58, v2  }
0xa6: {  	v0 =	vadd.f32 v5, v1;
	v1 =	vld [tilespmem:s30+$0x2A00]  }
0xa7: {  	v3 =	vld [tilespmem:s31+$0x3600];
	v2 =	vadd.f32 v8, v2  }
0xa8: {  	s1 =	simm.s32 $0x30;
	v0 =	vadd.f32 v6, v0;
	v6 =	vld [tilespmem:s30+$0x2C00]  }
0xa9: {  	v60 =	vld [tilespmem:s1+$0x1C00];
	v2 =	vadd.f32 v59, v2  }
0xaa: {  	v4 =	vld [tilespmem:s1+$0x1A00];
	v0 =	vadd.f32 v7, v0  }
0xab: {  	v1 =	vadd.f32 v1, v2  }
0xac: {  	v5 =	vld [tilespmem:s1+$0x1E00];
	v0 =	vadd.f32 v3, v0  }
0xad: {  	v1 =	vadd.f32 v6, v1;
	v6 =	vpop (erf)  }
0xae: {  	v8 =	vld [tilespmem:s1+$0x2000];
	v0 =	vsub.f32 $0.0e+00, v0;
	v6 =	vadd.f32 $1.000000000e+00, v6  }
0xaf: {  	v4 =	vadd.f32 v60, v4;
	v7 =	vld [tilespmem:s30+$0x2E00]  }
0xb0: {  	v61 =	vld [tilespmem:s1+$0x2200];
	v63 =	vmul.f32 $1.442695020e+00, v0;
	(erf) = vrcp.f32 v6  }
0xb1: {  	v2 =	vld [tilespmem:s30+$0x3000];
	v3 =	vadd.f32 v5, v4  }
0xb2: {  	v5 =	vld [tilespmem:s1+$0x2400];
	(erf) = vpow2.f32 v63  }
0xb3: {  	v62 =	vld [tilespmem:s30+$0x3200];
	v8 =	vadd.f32 v8, v3  }
0xb4: {  	v4 =	vld [tilespmem:s1+$0x2600];
	v7 =	vadd.f32 v7, v1  }
0xb5: {  	v3 =	vld [tilespmem:s30+$0x3600];
	v8 =	vadd.f32 v61, v8  }
0xb6: {  	s9 =	simm.s32 $0x40;
	v1 =	vld [tilespmem:s1+$0x2800];
	v7 =	vadd.f32 v2, v7  }
0xb7: {  	v0 =	vld [tilespmem:s9+$0x1A00];
	v6 =	vadd.f32 v5, v8  }
0xb8: {  	s11 =	simm.s32 $0x140;
	v2 =	vld [tilespmem:s9+$0x1C00];
	v5 =	vadd.f32 v62, v7  }
.LBB2_2:
0xb9: {  	p0 =	sne.s32 s11, $0x7C0;
	v4 =	vadd.f32 v4, v6;
	v6 =	vld [tilespmem:s1+$0x2A00];
	v7 =	vpop (erf)  }
0xba: {  	v8 =	vld [tilespmem:s9+$0x1E00];
	v3 =	vadd.f32 v3, v5;
	[tilespmem:s0+$0x3400] =	vst v7;
	s0 =	smov.u32 s31;
	s31 =	smov.u32 s30;
	s30 =	smov.u32 s1  }
0xbb: {  	s1 =	smov.u32 s9;
	v1 =	vadd.f32 v1, v4;
	v4 =	vld [tilespmem:s30+$0x2C00];
	v5 =	vpop (erf)  }
0xbc: {  	v7 =	vld [tilespmem:s1+$0x2000];
	v3 =	vsub.f32 $0.0e+00, v3;
	v5 =	vadd.f32 $1.000000000e+00, v5  }
0xbd: {  	v0 =	vadd.f32 v2, v0;
	v2 =	vld [tilespmem:s30+$0x2E00]  }
0xbe: {  	v9 =	vld [tilespmem:s1+$0x2200];
	v1 =	vadd.f32 v6, v1;
	v3 =	vmul.f32 $1.442695020e+00, v3;
	(erf) = vrcp.f32 v5  }
0xbf: {  	v0 =	vadd.f32 v8, v0;
	v5 =	vld [tilespmem:s30+$0x3000]  }
0xc0: {  	v6 =	vld [tilespmem:s1+$0x2400];
	v1 =	vadd.f32 v4, v1;
	(erf) = vpow2.f32 v3  }
0xc1: {  	v0 =	vadd.f32 v7, v0;
	v7 =	vld [tilespmem:s30+$0x3200]  }
.Ltmp0:
0xc2: {  	v4 =	vld [tilespmem:s1+$0x2600];
	v2 =	vadd.f32 v2, v1;
	(pc) =	sbr.rel @p0 .LBB2_2-.Ltmp0, $4  }
0xc3: {  	v8 =	vadd.f32 v9, v0;
	v3 =	vld [tilespmem:s30+$0x3600]  }
0xc4: {  	s9 =	sshra.s32 s11, $0x2;
	v1 =	vld [tilespmem:s1+$0x2800];
	v5 =	vadd.f32 v5, v2  }
0xc5: {  	v0 =	vld [tilespmem:s9+$0x1A00];
	v6 =	vadd.f32 v6, v8  }
0xc6: {  	s11 =	sadd.s32 $0x40, s11;
	v2 =	vld [tilespmem:s9+$0x1C00];
	v5 =	vadd.f32 v7, v5  }
0xc7: {  	_ = 	snop  }
0xc8: {  	v7 =	vld [tilespmem:s1+$0x2A00];
	v8 =	vpop (erf)  }
0xc9: {  	v9 =	vld [tilespmem:s9+$0x1E00];
	v4 =	vadd.f32 v4, v6;
	[tilespmem:s0+$0x3400] =	vst v8;
	v41 =	vpop (erf)  }
0xca: {  	v3 =	vadd.f32 v3, v5;
	v42 =	vld [tilespmem:s1+$0x2C00];
	v6 =	vadd.f32 $1.000000000e+00, v41  }
0xcb: {  	v1 =	vadd.f32 v1, v4;
	v43 =	vld [tilespmem:s9+$0x2000]  }
0xcc: {  	v44 =	vld [tilespmem:s1+$0x2E00];
	v3 =	vsub.f32 $0.0e+00, v3;
	v0 =	vadd.f32 v2, v0;
	(erf) = vrcp.f32 v6  }
0xcd: {  	v45 =	vld [tilespmem:s9+$0x2200];
	v1 =	vadd.f32 v7, v1  }
0xce: {  	v46 =	vld [tilespmem:s1+$0x3000];
	v3 =	vmul.f32 $1.442695020e+00, v3;
	v0 =	vadd.f32 v9, v0  }
0xcf: {  	v8 =	vld [tilespmem:s9+$0x2400];
	v1 =	vadd.f32 v42, v1  }
0xd0: {  	v47 =	vld [tilespmem:s1+$0x3200];
	(erf) = vpow2.f32 v3;
	v0 =	vadd.f32 v43, v0  }
0xd1: {  	v48 =	vld [tilespmem:s9+$0x2600];
	v1 =	vadd.f32 v44, v1  }
0xd2: {  	v49 =	vld [tilespmem:s1+$0x3600];
	v0 =	vadd.f32 v45, v0  }
0xd3: {  	v50 =	vld [tilespmem:s9+$0x2800];
	v1 =	vadd.f32 v46, v1  }
0xd4: {  	v0 =	vadd.f32 v8, v0  }
0xd5: {  	v51 =	vld [tilespmem:s9+$0x2A00];
	v1 =	vadd.f32 v47, v1;
	v52 =	vpop (erf)  }
0xd6: {  	v0 =	vadd.f32 v48, v0;
	[tilespmem:s31+$0x3400] =	vst v52  }
0xd7: {  	v1 =	vadd.f32 v49, v1;
	v53 =	vld [tilespmem:s9+$0x2C00]  }
0xd8: {  	v0 =	vadd.f32 v50, v0  }
0xd9: {  	v54 =	vpop (erf);
	v55 =	vld [tilespmem:s9+$0x2E00];
	v1 =	vsub.f32 $0.0e+00, v1  }
0xda: {  	v4 =	vadd.f32 $1.000000000e+00, v54;
	v0 =	vadd.f32 v51, v0  }
0xdb: {  	v56 =	vld [tilespmem:s9+$0x3000];
	v1 =	vmul.f32 $1.442695020e+00, v1  }
0xdc: {  	(erf) = vrcp.f32 v4;
	v0 =	vadd.f32 v53, v0  }
0xdd: {  	v57 =	vld [tilespmem:s9+$0x3200];
	(erf) = vpow2.f32 v1  }
0xde: {  	v0 =	vadd.f32 v55, v0  }
0xdf: {  	v58 =	vld [tilespmem:s9+$0x3600]  }
0xe0: {  	v0 =	vadd.f32 v56, v0;
	_ =	sdelay $0x1  }
0xe1: {  	v0 =	vadd.f32 v57, v0;
	_ =	sdelay $0x1  }
0xe2: {  	v0 =	vadd.f32 v58, v0  }
0xe3: {  	v59 =	vpop (erf)  }
0xe4: {  	v60 =	vpop (erf);
	v0 =	vsub.f32 $0.0e+00, v0  }
0xe5: {  	v2 =	vadd.f32 $1.000000000e+00, v60  }
0xe6: {  	v0 =	vmul.f32 $1.442695020e+00, v0  }
0xe7: {  	(erf) = vrcp.f32 v2  }
0xe8: {  	(erf) = vpow2.f32 v0;
	_ =	sdelay $0x7  }
0xe9: {  	v61 =	vpop (erf)  }
0xea: {  	v62 =	vpop (erf)  }
0xeb: {  	v2 =	vadd.f32 $1.000000000e+00, v62;
	_ =	sdelay $0x1  }
0xec: {  	(erf) = vrcp.f32 v2;
	_ =	sdelay $0x7  }
0xed: {  	s29 =	sadd.s32 $0x1, s29;
	[tilespmem:s30+$0x3400] =	vst v59  }
0xee: {  	p0 =	sne.s32 s29, s7;
	[tilespmem:s1+$0x3400] =	vst v61;
	v63 =	vpop (erf)  }
.Ltmp1:
0xef: {  	[tilespmem:s9+$0x3400] =	vst v63;
	(pc) =	sbr.rel @p0 .LBB2_1-.Ltmp1, $4  }
0xf0: {  	[hbm4b:s6+s2] =	stream.linear.scatter [tilespmem:s28], [sflag:$0x2], $0x200, $0x38;
	[tilespmem:$0x3800] =	vst v63  }
0xf1: {  	_ =	swait.ge [sflag:s10], $0x200  }
0xf2: {  	[sflag:s10] =	ssyncset.done $0x0  }
0xf3: {  	[sflag:s10] =	ssyncadd.s32 $0xFFFFFE00  }
0xf4: {  	_ =	sfence.sel $0x180000  }
0xf5: {  	[bflag:$0x0] =	sbarrier.arrive $0xFFFF  }
0xf6: {  	_ =	strace $0x9000004A  }
0xf7: {  	s0 =	stileid.u32;
	[bflag:$0x2] =	sbarrier.arrive $0xFFFF  }
0xf8: {  	p0 =	sne.s32 s0, $0x0;
	s0 =	rddreg [dreg:$0x2]  }
0xf9: {  	s0 =	sadd.s32 @!p0 $0x100000, s0  }
0xfa: {  	[sflag:s0] =	ssyncadd.tile.s32 @!p0 $0x1;
	_ =	shalt  }
.Lfunc_end2:
_tile_overlayer_lowered:
.L_overlay_start_2:
0xfb: {  	(tag) =	ssettag $0x2  }
0xfc: {  	s0 =	rddreg [dreg:$0x0];
	s2 =	stileid.u32  }
0xfd: {  	s1 =	rddreg [dreg:$0x1];
	p0 =	sne.s32 s2, $0x0  }
0xfe: {  	s3 =	rddreg [dreg:$0x2];
	[bflag:$0x3] =	sbarrier.arrive $0xFFFF;
	s2 =	simm.s32 @!p0 $0x1C02  }
0xff: {  	[timem:s3], [sflag:s2] =	dma.local @!p0 [hbm:s0], s1  }
0x100: {  	s0 =	simm.s32 @!p0 $0x2  }
0x101: {  	_ =	swait.ge @!p0 [sflag:s0], s1  }
0x102: {  	s1 =	ssub.s32 @!p0 $0x0, s1;
	[sflag:s0] =	ssyncset.done @!p0 $0x0  }
0x103: {  	[sflag:s0] =	ssyncadd.s32 @!p0 s1  }
0x104: {  	[bflag:$0x3] =	sbarrier.arrive $0xFFFF  }
0x105: {  	_ =	shalt  }

</sc_bundles>
